<compile_context>
chip_gen: v7x
topology: tpu7x:2x2x1
jax: 0.10.2.dev20260603
libtpu: 0.0.44.dev20260713+nightly
codegen_flags: <defaults>
</compile_context>

<pallas_src>
import dataclasses
import functools

import jax
import jax.numpy as jnp
import numpy as np
from jax import lax
from jax.experimental import pallas as pl
from jax.experimental.pallas import tpu as pltpu
from jax.experimental.pallas import tpu_sc as plsc

N = 4000000
RES = 100000
ROWS = 784
HIST_PAD = ROWS * 128
NW = 32

W_IMP = float(np.float32(1.0) / np.float32(1e8))
SCALE = float(np.float32(RES) / np.float32(1.0))

_TOTAL = 100000000 + 100000000
_AVG_PTS = _TOTAL / 1000
_UW = 1.0 / min(2.0 * _TOTAL, 5000.0 * _AVG_PTS)
CUW = float(np.float32((1.0 - _UW) ** float(N)))

CNT_HI = 125008
CNT_LO = 124992
CH = 2560
N_FULL = 48
REM = 2112


def _sc_hist_body(stat_hbm, dyn_hbm, score_hbm, out_hbm,
                  hist_v, stat_v, dyn_v, score_v, shared_v, idx_v,
                  sem0, sem1, sem2):
    core = lax.axis_index("c")
    sid = lax.axis_index("s")
    wid = sid * 2 + core
    is_hi = wid < 16
    base = jnp.where(is_hi, wid * CNT_HI,
                     16 * CNT_HI + (wid - 16) * CNT_LO)

    def copies(slot, c, sem):
        off = base + c * CH
        return [
            pltpu.make_async_copy(stat_hbm.at[pl.ds(off, CH)],
                                  stat_v.at[pl.ds(slot * CH, CH)], sem),
            pltpu.make_async_copy(dyn_hbm.at[pl.ds(off, CH)],
                                  dyn_v.at[pl.ds(slot * CH, CH)], sem),
            pltpu.make_async_copy(score_hbm.at[pl.ds(off, CH)],
                                  score_v.at[pl.ds(slot * CH, CH)], sem),
        ]

    def start(slot, c, sem):
        for cp in copies(slot, c, sem):
            cp.start()

    def wait(slot, c, sem):
        for cp in copies(slot, c, sem):
            cp.wait()

    sems = [sem0, sem1, sem2]
    for b in range(3):
        start(b, b, sems[b])

    zero = jnp.zeros((16,), jnp.float32)
    lane = lax.broadcasted_iota(jnp.int32, (16,), 0)

    @pl.loop(0, ROWS)
    def _(r):
        for u in range(8):
            hist_v[r, pl.ds(u * 16, 16)] = zero

    @pl.loop(0, ROWS // 16)
    def _(i):
        idx_v[pl.ds(i * 16, 16)] = lane + i * 16

    sbase = pl.multiple_of(
        jnp.where(sid < 14, sid * 48, 672 + (sid - 14) * 56), 8)

    pltpu.sync_copy(hist_v.at[pl.ds(0, 48)], shared_v.at[pl.ds(sbase, 48)])

    @pl.when(sid >= 14)
    def _():
        pltpu.sync_copy(hist_v.at[pl.ds(0, 8)],
                        shared_v.at[pl.ds(sbase + 48, 8)])

    plsc.subcore_barrier()

    def scatter_vreg(a, b, s):
        val = a - b
        idx = lax.convert_element_type(s * np.float32(SCALE), jnp.int32)
        idx = jnp.minimum(jnp.maximum(idx, 0), RES - 1)
        plsc.addupdate_scatter(
            hist_v,
            [lax.shift_right_logical(idx, 7), jnp.bitwise_and(idx, 127)],
            val)

    def compute(slot, nvreg, unroll):
        @plsc.parallel_loop(0, nvreg * 16, 16, unroll=unroll)
        def _(o):
            scatter_vreg(stat_v[pl.ds(slot * CH + o, 16)],
                         dyn_v[pl.ds(slot * CH + o, 16)],
                         score_v[pl.ds(slot * CH + o, 16)])

    @pl.loop(0, N_FULL // 3)
    def _(i):
        for b in range(3):
            wait(b, 3 * i + b, sems[b])
            compute(b, CH // 16, 16)

            @pl.when(i < N_FULL // 3 - 1)
            def _():
                start(b, 3 * i + b + 3, sems[b])

    off = base + N_FULL * CH
    pltpu.sync_copy(stat_hbm.at[pl.ds(off, REM)], stat_v.at[pl.ds(0, REM)])
    pltpu.sync_copy(dyn_hbm.at[pl.ds(off, REM)], dyn_v.at[pl.ds(0, REM)])
    pltpu.sync_copy(score_hbm.at[pl.ds(off, REM)], score_v.at[pl.ds(0, REM)])
    compute(0, REM // 16, 4)

    @pl.when(is_hi)
    def _():
        off2 = base + N_FULL * CH + REM
        pltpu.sync_copy(stat_hbm.at[pl.ds(off2, 16)], stat_v.at[pl.ds(0, 16)])
        pltpu.sync_copy(dyn_hbm.at[pl.ds(off2, 16)], dyn_v.at[pl.ds(0, 16)])
        pltpu.sync_copy(score_hbm.at[pl.ds(off2, 16)], score_v.at[pl.ds(0, 16)])
        scatter_vreg(stat_v[pl.ds(0, 16)], dyn_v[pl.ds(0, 16)],
                     score_v[pl.ds(0, 16)])

    pltpu.sync_copy(hist_v, shared_v.at[idx_v], add=True)
    plsc.subcore_barrier()
    pltpu.sync_copy(shared_v.at[pl.ds(sbase, 48)],
                    out_hbm.at[core, pl.ds(sbase, 48)])

    @pl.when(sid >= 14)
    def _():
        pltpu.sync_copy(shared_v.at[pl.ds(sbase + 48, 8)],
                        out_hbm.at[core, pl.ds(sbase + 48, 8)])


@jax.jit
def _sc_hist(stat, dyn, score):
    mesh = plsc.VectorSubcoreMesh(core_axis_name="c", subcore_axis_name="s")
    cp = pltpu.CompilerParams()
    if "needs_layout_passes" in pltpu.CompilerParams.__dataclass_fields__:
        cp = dataclasses.replace(cp, needs_layout_passes=False)
    f = pl.kernel(
        _sc_hist_body,
        out_type=jax.ShapeDtypeStruct((2, ROWS, 128), jnp.float32),
        mesh=mesh,
        scratch_types=[
            pltpu.VMEM((ROWS, 128), jnp.float32),
            pltpu.VMEM((3 * CH,), jnp.float32),
            pltpu.VMEM((3 * CH,), jnp.float32),
            pltpu.VMEM((3 * CH,), jnp.float32),
            pltpu.VMEM_SHARED((ROWS, 128), jnp.float32),
            pltpu.VMEM((ROWS,), jnp.int32),
            pltpu.SemaphoreType.DMA,
            pltpu.SemaphoreType.DMA,
            pltpu.SemaphoreType.DMA,
        ],
        compiler_params=cp,
    )
    return f(stat, dyn, score)


def _tc_post_body(ph_ref, mai_ref, out_ref):
    h = jnp.sum(ph_ref[...], axis=0)
    mai = mai_ref[...] * np.float32(CUW) + (np.float32(1.0 - CUW) * np.float32(W_IMP)) * h

    ii = lax.broadcasted_iota(jnp.int32, (128, 128), 0)
    jj = lax.broadcasted_iota(jnp.int32, (128, 128), 1)
    upper = (ii <= jj).astype(jnp.float32)
    w = lax.dot_general(mai, upper, (((1,), (0,)), ((), ())),
                        preferred_element_type=jnp.float32,
                        precision=lax.Precision.HIGHEST)

    rr = lax.broadcasted_iota(jnp.int32, (ROWS, ROWS), 0)
    cc = lax.broadcasted_iota(jnp.int32, (ROWS, ROWS), 1)
    lstrict = (cc < rr).astype(jnp.float32)
    s_b = jnp.broadcast_to(w[:, 127:128], (ROWS, 128))
    p = lax.dot_general(lstrict, s_b, (((1,), (0,)), ((), ())),
                        preferred_element_type=jnp.float32,
                        precision=lax.Precision.HIGHEST)
    c = w + p

    r2 = lax.broadcasted_iota(jnp.int32, (ROWS, 128), 0)
    l2 = lax.broadcasted_iota(jnp.int32, (ROWS, 128), 1)
    k = r2 * 128 + l2
    valid = k < RES
    cv = jnp.where(valid, c, jnp.float32(jnp.inf))
    best = jnp.minimum(jnp.min(cv), jnp.float32(0.0))
    eq = cv == best
    cnt = jnp.sum(eq.astype(jnp.float32)) + (best == 0.0).astype(jnp.float32)
    idxsum = jnp.sum(jnp.where(eq, (k + 1).astype(jnp.float32), jnp.float32(0.0)))
    avg = idxsum / cnt
    out_ref[...] = jnp.broadcast_to(avg * np.float32(1.0) / np.float32(RES), (1, 1))


@jax.jit
def _tc_post(part, mai_pad):
    return pl.pallas_call(
        _tc_post_body,
        out_shape=jax.ShapeDtypeStruct((1, 1), jnp.float32),
    )(part.reshape(-1, ROWS, 128), mai_pad)


def kernel(epes_stat_flow, epes_dyn_flow, moving_mask, dynamicness_scores,
           moving_average_importance, training=True):
    part = _sc_hist(epes_stat_flow, epes_dyn_flow, dynamicness_scores)
    mai_pad = jnp.pad(moving_average_importance, (0, HIST_PAD - RES)).reshape(ROWS, 128)
    out = _tc_post(part, mai_pad)
    return out[0, 0]

# --- scband reference (transcript-rebuilt; emitter-appended) ---
"""Pipeline reference for scband-moving-average-threshold-48893907697729 (READ-ONLY COPY).

The authoritative reference and input builder live on the scoring server;
editing this copy changes nothing except your own understanding.
"""

import jax, jax.numpy as jnp
import numpy as np

N = 4000000
RES = 100000
NUM_TRAIN = 1000
NUM_MOVING = 100000000
NUM_STILL = 100000000
V0, V1 = 0.0, 1.0  # value_range (offset, span)
START_VALUE = 0.5


def _cur_update_weight(num_points):
    total = NUM_MOVING + NUM_STILL
    avg_points_per_sample = total / NUM_TRAIN
    update_weight = 1.0 / min(2.0 * total, 5000.0 * avg_points_per_sample)
    # (1 - update_weight) ** num_points computed in float64 like the torch double buffer
    return (1.0 - update_weight) ** float(num_points)


def setup_inputs(seed: int = 0) -> dict:
    key = jax.random.key(seed)
    k1, k2, k3, k4 = jax.random.split(key, 4)
    return {
        "epes_stat_flow": jax.random.uniform(k1, (N,), dtype=jnp.float32),
        "epes_dyn_flow": jax.random.uniform(k2, (N,), dtype=jnp.float32),
        "moving_mask": jax.random.randint(k3, (N,), 0, 2) > 0,
        "dynamicness_scores": jax.random.uniform(k4, (N,), dtype=jnp.float32),
        "moving_average_importance": jnp.zeros((RES,), dtype=jnp.float32),
        "training": True,
    }


def reference(epes_stat_flow, epes_dyn_flow, moving_mask, dynamicness_scores, moving_average_importance, training=True):
    # _compute_improvements (num_still is not None branch); counters hold their initial values
    improvement_weight = 1.0 / jnp.where(moving_mask, float(NUM_MOVING), float(NUM_STILL)).astype(jnp.float32)
    improvements = (epes_stat_flow - epes_dyn_flow) * improvement_weight
    # _compute_bin_idxs
    idxs = ((dynamicness_scores - V0) * RES / V1).astype(jnp.int32)
    idxs = jnp.clip(idxs, 0, RES - 1)
    # scatter_add into histogram
    cur_result = jnp.zeros((RES,), dtype=jnp.float32).at[idxs].add(improvements)
    # _update_values (bias_counter starts at 0 so after this update it is > 0)
    cuw = np.float32(_cur_update_weight(N))
    mai = moving_average_importance * cuw + (np.float32(1.0) - cuw) * cur_result
    # _compute_optimal_score_threshold
    improv_over_thresh = jnp.concatenate([jnp.zeros((1,), dtype=mai.dtype), jnp.cumsum(mai)])
    best_improv = jnp.min(improv_over_thresh)
    eq = (improv_over_thresh == best_improv).astype(jnp.float32)
    idxr = jnp.arange(RES + 1, dtype=jnp.float32)
    avg_optimal_idx = jnp.sum(idxr * eq) / jnp.sum(eq)
    optimal_score_threshold = V0 + avg_optimal_idx * V1 / RES
    return optimal_score_threshold

if __name__ == "__main__":
    import jax
    _d = setup_inputs()
    print(jax.jit(kernel)(*tuple(_d.values())))

</pallas_src>

<mosaic_0001>
#map = affine_map<(d0, d1) -> (0)>
#map1 = affine_map<(d0, d1) -> (0, 0, 0)>
module attributes {stable_mosaic.version = 14 : i64} {
  func.func @_sc_hist_body(%arg0: i32, %arg1: i32, %arg2: memref<4000000xf32, #tpu.memory_space<hbm>>, %arg3: memref<4000000xf32, #tpu.memory_space<hbm>>, %arg4: memref<4000000xf32, #tpu.memory_space<hbm>>, %arg5: memref<2x784x128xf32, #tpu.memory_space<hbm>>, %arg6: memref<784x128xf32, #tpu.memory_space<vmem>>, %arg7: memref<7680xf32, #tpu.memory_space<vmem>>, %arg8: memref<7680xf32, #tpu.memory_space<vmem>>, %arg9: memref<7680xf32, #tpu.memory_space<vmem>>, %arg10: memref<784x128xf32, #tpu.memory_space<vmem_shared>>, %arg11: memref<784xi32, #tpu.memory_space<vmem>>, %arg12: memref<!tpu.dma_semaphore, #tpu.memory_space<semaphore_mem>>, %arg13: memref<!tpu.dma_semaphore, #tpu.memory_space<semaphore_mem>>, %arg14: memref<!tpu.dma_semaphore, #tpu.memory_space<semaphore_mem>>) attributes {dimension_semantics = [#tpu.dimension_semantics<core_parallel>, #tpu.dimension_semantics<subcore_parallel>], iteration_bounds = array<i64: 2, 16>, scalar_prefetch = 0 : i64, scratch_operands = 9 : i64, tpu.core_type = #tpu.core_type<sc_vector_subcore>, window_params = [{transform_indices = #map}, {transform_indices = #map}, {transform_indices = #map}, {transform_indices = #map1}]} {
    %mul3A = arith.constant 2 : i32
    %mul3A_0 = arith.muli %arg1, %mul3A : i32
    %add3A = arith.addi %mul3A_0, %arg0 : i32
    %lt3A = arith.constant 16 : i32
    %lt3A_1 = arith.cmpi slt, %add3A, %lt3A : i32
    %mul3A_2 = arith.constant 125008 : i32
    %mul3A_3 = arith.muli %add3A, %mul3A_2 : i32
    %sub3A = arith.constant 16 : i32
    %sub3A_4 = arith.subi %add3A, %sub3A : i32
    %mul3A_5 = arith.constant 124992 : i32
    %mul3A_6 = arith.muli %sub3A_4, %mul3A_5 : i32
    %add3A_7 = arith.constant 2000128 : i32
    %add3A_8 = arith.addi %add3A_7, %mul3A_6 : i32
    %select_n3A = arith.select %lt3A_1, %mul3A_3, %add3A_8 : i32
    %add3A_9 = arith.constant 0 : i32
    %add3A_10 = arith.addi %select_n3A, %add3A_9 : i32
    %dma_start3A = arith.constant 0 : i32
    %dma_start3A_11 = tpu.memref_slice %arg7[%dma_start3A] : memref<7680xf32, #tpu.memory_space<vmem>> -> memref<2560xf32, #tpu.memory_space<vmem>>
    %dma_start3A_12 = tpu.memref_slice %arg2[%add3A_10] : memref<4000000xf32, #tpu.memory_space<hbm>> -> memref<2560xf32, #tpu.memory_space<hbm>>
    %dma_start3A_13 = arith.constant 0 : i32
    %dma_start3A_14 = tpu.memref_slice %arg7[%dma_start3A_13] : memref<7680xf32, #tpu.memory_space<vmem>> -> memref<2560xf32, #tpu.memory_space<vmem>>
    %dma_start3A_15 = tpu.memref_slice %arg2[%add3A_10] : memref<4000000xf32, #tpu.memory_space<hbm>> -> memref<2560xf32, #tpu.memory_space<hbm>>
    tpu.enqueue_dma source(%dma_start3A_15 : memref<2560xf32, #tpu.memory_space<hbm>>) target(%dma_start3A_14 : memref<2560xf32, #tpu.memory_space<vmem>>) target_semaphore(%arg12 : memref<!tpu.dma_semaphore, #tpu.memory_space<semaphore_mem>>)
    %dma_start3A_16 = arith.constant 0 : i32
    %dma_start3A_17 = tpu.memref_slice %arg8[%dma_start3A_16] : memref<7680xf32, #tpu.memory_space<vmem>> -> memref<2560xf32, #tpu.memory_space<vmem>>
    %dma_start3A_18 = tpu.memref_slice %arg3[%add3A_10] : memref<4000000xf32, #tpu.memory_space<hbm>> -> memref<2560xf32, #tpu.memory_space<hbm>>
    %dma_start3A_19 = arith.constant 0 : i32
    %dma_start3A_20 = tpu.memref_slice %arg8[%dma_start3A_19] : memref<7680xf32, #tpu.memory_space<vmem>> -> memref<2560xf32, #tpu.memory_space<vmem>>
    %dma_start3A_21 = tpu.memref_slice %arg3[%add3A_10] : memref<4000000xf32, #tpu.memory_space<hbm>> -> memref<2560xf32, #tpu.memory_space<hbm>>
    tpu.enqueue_dma source(%dma_start3A_21 : memref<2560xf32, #tpu.memory_space<hbm>>) target(%dma_start3A_20 : memref<2560xf32, #tpu.memory_space<vmem>>) target_semaphore(%arg12 : memref<!tpu.dma_semaphore, #tpu.memory_space<semaphore_mem>>)
    %dma_start3A_22 = arith.constant 0 : i32
    %dma_start3A_23 = tpu.memref_slice %arg9[%dma_start3A_22] : memref<7680xf32, #tpu.memory_space<vmem>> -> memref<2560xf32, #tpu.memory_space<vmem>>
    %dma_start3A_24 = tpu.memref_slice %arg4[%add3A_10] : memref<4000000xf32, #tpu.memory_space<hbm>> -> memref<2560xf32, #tpu.memory_space<hbm>>
    %dma_start3A_25 = arith.constant 0 : i32
    %dma_start3A_26 = tpu.memref_slice %arg9[%dma_start3A_25] : memref<7680xf32, #tpu.memory_space<vmem>> -> memref<2560xf32, #tpu.memory_space<vmem>>
    %dma_start3A_27 = tpu.memref_slice %arg4[%add3A_10] : memref<4000000xf32, #tpu.memory_space<hbm>> -> memref<2560xf32, #tpu.memory_space<hbm>>
    tpu.enqueue_dma source(%dma_start3A_27 : memref<2560xf32, #tpu.memory_space<hbm>>) target(%dma_start3A_26 : memref<2560xf32, #tpu.memory_space<vmem>>) target_semaphore(%arg12 : memref<!tpu.dma_semaphore, #tpu.memory_space<semaphore_mem>>)
    %add3A_28 = arith.constant 2560 : i32
    %add3A_29 = arith.addi %select_n3A, %add3A_28 : i32
    %dma_start3A_30 = arith.constant 2560 : i32
    %dma_start3A_31 = tpu.memref_slice %arg7[%dma_start3A_30] : memref<7680xf32, #tpu.memory_space<vmem>> -> memref<2560xf32, #tpu.memory_space<vmem>>
    %dma_start3A_32 = tpu.memref_slice %arg2[%add3A_29] : memref<4000000xf32, #tpu.memory_space<hbm>> -> memref<2560xf32, #tpu.memory_space<hbm>>
    %dma_start3A_33 = arith.constant 2560 : i32
    %dma_start3A_34 = tpu.memref_slice %arg7[%dma_start3A_33] : memref<7680xf32, #tpu.memory_space<vmem>> -> memref<2560xf32, #tpu.memory_space<vmem>>
    %dma_start3A_35 = tpu.memref_slice %arg2[%add3A_29] : memref<4000000xf32, #tpu.memory_space<hbm>> -> memref<2560xf32, #tpu.memory_space<hbm>>
    tpu.enqueue_dma source(%dma_start3A_35 : memref<2560xf32, #tpu.memory_space<hbm>>) target(%dma_start3A_34 : memref<2560xf32, #tpu.memory_space<vmem>>) target_semaphore(%arg13 : memref<!tpu.dma_semaphore, #tpu.memory_space<semaphore_mem>>)
    %dma_start3A_36 = arith.constant 2560 : i32
    %dma_start3A_37 = tpu.memref_slice %arg8[%dma_start3A_36] : memref<7680xf32, #tpu.memory_space<vmem>> -> memref<2560xf32, #tpu.memory_space<vmem>>
    %dma_start3A_38 = tpu.memref_slice %arg3[%add3A_29] : memref<4000000xf32, #tpu.memory_space<hbm>> -> memref<2560xf32, #tpu.memory_space<hbm>>
    %dma_start3A_39 = arith.constant 2560 : i32
    %dma_start3A_40 = tpu.memref_slice %arg8[%dma_start3A_39] : memref<7680xf32, #tpu.memory_space<vmem>> -> memref<2560xf32, #tpu.memory_space<vmem>>
    %dma_start3A_41 = tpu.memref_slice %arg3[%add3A_29] : memref<4000000xf32, #tpu.memory_space<hbm>> -> memref<2560xf32, #tpu.memory_space<hbm>>
    tpu.enqueue_dma source(%dma_start3A_41 : memref<2560xf32, #tpu.memory_space<hbm>>) target(%dma_start3A_40 : memref<2560xf32, #tpu.memory_space<vmem>>) target_semaphore(%arg13 : memref<!tpu.dma_semaphore, #tpu.memory_space<semaphore_mem>>)
    %dma_start3A_42 = arith.constant 2560 : i32
    %dma_start3A_43 = tpu.memref_slice %arg9[%dma_start3A_42] : memref<7680xf32, #tpu.memory_space<vmem>> -> memref<2560xf32, #tpu.memory_space<vmem>>
    %dma_start3A_44 = tpu.memref_slice %arg4[%add3A_29] : memref<4000000xf32, #tpu.memory_space<hbm>> -> memref<2560xf32, #tpu.memory_space<hbm>>
    %dma_start3A_45 = arith.constant 2560 : i32
    %dma_start3A_46 = tpu.memref_slice %arg9[%dma_start3A_45] : memref<7680xf32, #tpu.memory_space<vmem>> -> memref<2560xf32, #tpu.memory_space<vmem>>
    %dma_start3A_47 = tpu.memref_slice %arg4[%add3A_29] : memref<4000000xf32, #tpu.memory_space<hbm>> -> memref<2560xf32, #tpu.memory_space<hbm>>
    tpu.enqueue_dma source(%dma_start3A_47 : memref<2560xf32, #tpu.memory_space<hbm>>) target(%dma_start3A_46 : memref<2560xf32, #tpu.memory_space<vmem>>) target_semaphore(%arg13 : memref<!tpu.dma_semaphore, #tpu.memory_space<semaphore_mem>>)
    %add3A_48 = arith.constant 5120 : i32
    %add3A_49 = arith.addi %select_n3A, %add3A_48 : i32
    %dma_start3A_50 = arith.constant 5120 : i32
    %dma_start3A_51 = tpu.memref_slice %arg7[%dma_start3A_50] : memref<7680xf32, #tpu.memory_space<vmem>> -> memref<2560xf32, #tpu.memory_space<vmem>>
    %dma_start3A_52 = tpu.memref_slice %arg2[%add3A_49] : memref<4000000xf32, #tpu.memory_space<hbm>> -> memref<2560xf32, #tpu.memory_space<hbm>>
    %dma_start3A_53 = arith.constant 5120 : i32
    %dma_start3A_54 = tpu.memref_slice %arg7[%dma_start3A_53] : memref<7680xf32, #tpu.memory_space<vmem>> -> memref<2560xf32, #tpu.memory_space<vmem>>
    %dma_start3A_55 = tpu.memref_slice %arg2[%add3A_49] : memref<4000000xf32, #tpu.memory_space<hbm>> -> memref<2560xf32, #tpu.memory_space<hbm>>
    tpu.enqueue_dma source(%dma_start3A_55 : memref<2560xf32, #tpu.memory_space<hbm>>) target(%dma_start3A_54 : memref<2560xf32, #tpu.memory_space<vmem>>) target_semaphore(%arg14 : memref<!tpu.dma_semaphore, #tpu.memory_space<semaphore_mem>>)
    %dma_start3A_56 = arith.constant 5120 : i32
    %dma_start3A_57 = tpu.memref_slice %arg8[%dma_start3A_56] : memref<7680xf32, #tpu.memory_space<vmem>> -> memref<2560xf32, #tpu.memory_space<vmem>>
    %dma_start3A_58 = tpu.memref_slice %arg3[%add3A_49] : memref<4000000xf32, #tpu.memory_space<hbm>> -> memref<2560xf32, #tpu.memory_space<hbm>>
    %dma_start3A_59 = arith.constant 5120 : i32
    %dma_start3A_60 = tpu.memref_slice %arg8[%dma_start3A_59] : memref<7680xf32, #tpu.memory_space<vmem>> -> memref<2560xf32, #tpu.memory_space<vmem>>
    %dma_start3A_61 = tpu.memref_slice %arg3[%add3A_49] : memref<4000000xf32, #tpu.memory_space<hbm>> -> memref<2560xf32, #tpu.memory_space<hbm>>
    tpu.enqueue_dma source(%dma_start3A_61 : memref<2560xf32, #tpu.memory_space<hbm>>) target(%dma_start3A_60 : memref<2560xf32, #tpu.memory_space<vmem>>) target_semaphore(%arg14 : memref<!tpu.dma_semaphore, #tpu.memory_space<semaphore_mem>>)
    %dma_start3A_62 = arith.constant 5120 : i32
    %dma_start3A_63 = tpu.memref_slice %arg9[%dma_start3A_62] : memref<7680xf32, #tpu.memory_space<vmem>> -> memref<2560xf32, #tpu.memory_space<vmem>>
    %dma_start3A_64 = tpu.memref_slice %arg4[%add3A_49] : memref<4000000xf32, #tpu.memory_space<hbm>> -> memref<2560xf32, #tpu.memory_space<hbm>>
    %dma_start3A_65 = arith.constant 5120 : i32
    %dma_start3A_66 = tpu.memref_slice %arg9[%dma_start3A_65] : memref<7680xf32, #tpu.memory_space<vmem>> -> memref<2560xf32, #tpu.memory_space<vmem>>
    %dma_start3A_67 = tpu.memref_slice %arg4[%add3A_49] : memref<4000000xf32, #tpu.memory_space<hbm>> -> memref<2560xf32, #tpu.memory_space<hbm>>
    tpu.enqueue_dma source(%dma_start3A_67 : memref<2560xf32, #tpu.memory_space<hbm>>) target(%dma_start3A_66 : memref<2560xf32, #tpu.memory_space<vmem>>) target_semaphore(%arg14 : memref<!tpu.dma_semaphore, #tpu.memory_space<semaphore_mem>>)
    %broadcast_in_dim3A = arith.constant 0.000000e+00 : f32
    %broadcast_in_dim3A_68 = vector.broadcast %broadcast_in_dim3A : f32 to vector<16xf32>
    %iota3A = tpu.iota {dimensions = array<i32: 0>} : vector<16xi32>
    %scan3A = arith.constant 0 : i32
    %scan3A_69 = arith.constant 784 : i32
    %scan3A_70 = arith.addi %scan3A, %scan3A_69 : i32
    %scan3A_71 = arith.constant 1 : i32
    scf.for %scan3A_109 = %scan3A to %scan3A_70 step %scan3A_71  : i32 {
      %mul3A_110 = arith.constant 1 : i32
      %mul3A_111 = arith.muli %scan3A_109, %mul3A_110 : i32
      %add3A_112 = arith.constant 0 : i32
      %add3A_113 = arith.addi %add3A_112, %mul3A_111 : i32
      %swap3A = arith.index_cast %add3A_113 : i32 to index
      %swap3A_114 = arith.constant 0 : index
      %swap3A_115 = tpu.vector_load %arg6[%swap3A, %swap3A_114] {strides = array<i32>} : memref<784x128xf32, #tpu.memory_space<vmem>>, vector<16xf32>,
      tpu.vector_store %arg6[%swap3A, %swap3A_114], %broadcast_in_dim3A_68 {strides = array<i32>} : memref<784x128xf32, #tpu.memory_space<vmem>>, vector<16xf32>,
      %swap3A_116 = arith.index_cast %add3A_113 : i32 to index
      %swap3A_117 = arith.constant 16 : index
      %swap3A_118 = tpu.vector_load %arg6[%swap3A_116, %swap3A_117] {strides = array<i32>} : memref<784x128xf32, #tpu.memory_space<vmem>>, vector<16xf32>,
      tpu.vector_store %arg6[%swap3A_116, %swap3A_117], %broadcast_in_dim3A_68 {strides = array<i32>} : memref<784x128xf32, #tpu.memory_space<vmem>>, vector<16xf32>,
      %swap3A_119 = arith.index_cast %add3A_113 : i32 to index
      %swap3A_120 = arith.constant 32 : index
      %swap3A_121 = tpu.vector_load %arg6[%swap3A_119, %swap3A_120] {strides = array<i32>} : memref<784x128xf32, #tpu.memory_space<vmem>>, vector<16xf32>,
      tpu.vector_store %arg6[%swap3A_119, %swap3A_120], %broadcast_in_dim3A_68 {strides = array<i32>} : memref<784x128xf32, #tpu.memory_space<vmem>>, vector<16xf32>,
      %swap3A_122 = arith.index_cast %add3A_113 : i32 to index
      %swap3A_123 = arith.constant 48 : index
      %swap3A_124 = tpu.vector_load %arg6[%swap3A_122, %swap3A_123] {strides = array<i32>} : memref<784x128xf32, #tpu.memory_space<vmem>>, vector<16xf32>,
      tpu.vector_store %arg6[%swap3A_122, %swap3A_123], %broadcast_in_dim3A_68 {strides = array<i32>} : memref<784x128xf32, #tpu.memory_space<vmem>>, vector<16xf32>,
      %swap3A_125 = arith.index_cast %add3A_113 : i32 to index
      %swap3A_126 = arith.constant 64 : index
      %swap3A_127 = tpu.vector_load %arg6[%swap3A_125, %swap3A_126] {strides = array<i32>} : memref<784x128xf32, #tpu.memory_space<vmem>>, vector<16xf32>,
      tpu.vector_store %arg6[%swap3A_125, %swap3A_126], %broadcast_in_dim3A_68 {strides = array<i32>} : memref<784x128xf32, #tpu.memory_space<vmem>>, vector<16xf32>,
      %swap3A_128 = arith.index_cast %add3A_113 : i32 to index
      %swap3A_129 = arith.constant 80 : index
      %swap3A_130 = tpu.vector_load %arg6[%swap3A_128, %swap3A_129] {strides = array<i32>} : memref<784x128xf32, #tpu.memory_space<vmem>>, vector<16xf32>,
      tpu.vector_store %arg6[%swap3A_128, %swap3A_129], %broadcast_in_dim3A_68 {strides = array<i32>} : memref<784x128xf32, #tpu.memory_space<vmem>>, vector<16xf32>,
      %swap3A_131 = arith.index_cast %add3A_113 : i32 to index
      %swap3A_132 = arith.constant 96 : index
      %swap3A_133 = tpu.vector_load %arg6[%swap3A_131, %swap3A_132] {strides = array<i32>} : memref<784x128xf32, #tpu.memory_space<vmem>>, vector<16xf32>,
      tpu.vector_store %arg6[%swap3A_131, %swap3A_132], %broadcast_in_dim3A_68 {strides = array<i32>} : memref<784x128xf32, #tpu.memory_space<vmem>>, vector<16xf32>,
      %swap3A_134 = arith.index_cast %add3A_113 : i32 to index
      %swap3A_135 = arith.constant 112 : index
      %swap3A_136 = tpu.vector_load %arg6[%swap3A_134, %swap3A_135] {strides = array<i32>} : memref<784x128xf32, #tpu.memory_space<vmem>>, vector<16xf32>,
      tpu.vector_store %arg6[%swap3A_134, %swap3A_135], %broadcast_in_dim3A_68 {strides = array<i32>} : memref<784x128xf32, #tpu.memory_space<vmem>>, vector<16xf32>,
    }
    %scan3A_72 = arith.constant 784 : i32
    %scan3A_73 = arith.constant 0 : i32
    %scan3A_74 = arith.constant 49 : i32
    %scan3A_75 = arith.addi %scan3A_73, %scan3A_74 : i32
    %scan3A_76 = arith.constant 1 : i32
    scf.for %scan3A_109 = %scan3A_73 to %scan3A_75 step %scan3A_76  : i32 {
      %mul3A_110 = arith.constant 1 : i32
      %mul3A_111 = arith.muli %scan3A_109, %mul3A_110 : i32
      %add3A_112 = arith.constant 0 : i32
      %add3A_113 = arith.addi %add3A_112, %mul3A_111 : i32
      %mul3A_114 = arith.constant 16 : i32
      %mul3A_115 = arith.muli %add3A_113, %mul3A_114 : i32
      %add3A_116 = vector.broadcast %mul3A_115 : i32 to vector<16xi32>
      %add3A_117 = arith.addi %iota3A, %add3A_116 : vector<16xi32>
      %mul3A_118 = arith.constant 16 : i32
      %mul3A_119 = arith.muli %add3A_113, %mul3A_118 : i32
      %swap3A = arith.index_cast %mul3A_119 : i32 to index
      %swap3A_120 = tpu.vector_load %arg11[%swap3A] {strides = array<i32>} : memref<784xi32, #tpu.memory_space<vmem>>, vector<16xi32>,
      tpu.vector_store %arg11[%swap3A], %add3A_117 {strides = array<i32>} : memref<784xi32, #tpu.memory_space<vmem>>, vector<16xi32>,
    }
    %scan3A_77 = arith.constant 49 : i32
    %lt3A_78 = arith.constant 14 : i32
    %lt3A_79 = arith.cmpi slt, %arg1, %lt3A_78 : i32
    %mul3A_80 = arith.constant 48 : i32
    %mul3A_81 = arith.muli %arg1, %mul3A_80 : i32
    %sub3A_82 = arith.constant 14 : i32
    %sub3A_83 = arith.subi %arg1, %sub3A_82 : i32
    %mul3A_84 = arith.constant 56 : i32
    %mul3A_85 = arith.muli %sub3A_83, %mul3A_84 : i32
    %add3A_86 = arith.constant 672 : i32
    %add3A_87 = arith.addi %add3A_86, %mul3A_85 : i32
    %select_n3A_88 = arith.select %lt3A_79, %mul3A_81, %add3A_87 : i32
    %multiple_of3A = tpu.assume_multiple %select_n3A_88, 8 : i32
    "tpu.region"() ({
      %run_scoped3A = tpu.sem_alloc : memref<!tpu.dma_semaphore, #tpu.memory_space<semaphore_mem>>
      %dma_start3A_109 = arith.constant 0 : i32
      %dma_start3A_110 = arith.constant 0 : i32
      %dma_start3A_111 = tpu.memref_slice %arg6[%dma_start3A_109, %dma_start3A_110] : memref<784x128xf32, #tpu.memory_space<vmem>> -> memref<48x128xf32, #tpu.memory_space<vmem>>
      %dma_start3A_112 = arith.constant 0 : i32
      %dma_start3A_113 = tpu.memref_slice %arg10[%multiple_of3A, %dma_start3A_112] : memref<784x128xf32, #tpu.memory_space<vmem_shared>> -> memref<48x128xf32, #tpu.memory_space<vmem_shared>>
      %dma_start3A_114 = arith.constant 0 : i32
      %dma_start3A_115 = tpu.memref_slice %arg10[%multiple_of3A, %dma_start3A_114] : memref<784x128xf32, #tpu.memory_space<vmem_shared>> -> memref<48x128xf32, #tpu.memory_space<vmem_shared>>
      %dma_start3A_116 = arith.constant 0 : i32
      %dma_start3A_117 = arith.constant 0 : i32
      %dma_start3A_118 = tpu.memref_slice %arg6[%dma_start3A_116, %dma_start3A_117] : memref<784x128xf32, #tpu.memory_space<vmem>> -> memref<48x128xf32, #tpu.memory_space<vmem>>
      tpu.enqueue_dma source(%dma_start3A_118 : memref<48x128xf32, #tpu.memory_space<vmem>>) target(%dma_start3A_115 : memref<48x128xf32, #tpu.memory_space<vmem_shared>>) target_semaphore(%run_scoped3A : memref<!tpu.dma_semaphore, #tpu.memory_space<semaphore_mem>>)
      %dma_wait3A = arith.constant 0 : i32
      %dma_wait3A_119 = arith.constant 0 : i32
      %dma_wait3A_120 = tpu.memref_slice %arg6[%dma_wait3A, %dma_wait3A_119] : memref<784x128xf32, #tpu.memory_space<vmem>> -> memref<48x128xf32, #tpu.memory_space<vmem>>
      %dma_wait3A_121 = arith.constant 0 : i32
      %dma_wait3A_122 = tpu.memref_slice %arg10[%multiple_of3A, %dma_wait3A_121] : memref<784x128xf32, #tpu.memory_space<vmem_shared>> -> memref<48x128xf32, #tpu.memory_space<vmem_shared>>
      %dma_wait3A_123 = arith.constant 0 : i32
      %dma_wait3A_124 = tpu.memref_slice %arg10[%multiple_of3A, %dma_wait3A_123] : memref<784x128xf32, #tpu.memory_space<vmem_shared>> -> memref<48x128xf32, #tpu.memory_space<vmem_shared>>
      %dma_wait3A_125 = arith.constant 0 : i32
      %dma_wait3A_126 = arith.constant 0 : i32
      %dma_wait3A_127 = tpu.memref_slice %arg6[%dma_wait3A_125, %dma_wait3A_126] : memref<784x128xf32, #tpu.memory_space<vmem>> -> memref<48x128xf32, #tpu.memory_space<vmem>>
      tpu.wait_dma2 semaphore(%run_scoped3A : memref<!tpu.dma_semaphore, #tpu.memory_space<semaphore_mem>>) src(%dma_wait3A_127 : memref<48x128xf32, #tpu.memory_space<vmem>>) dst(%dma_wait3A_124 : memref<48x128xf32, #tpu.memory_space<vmem_shared>>)
      tpu.yield
    }) : () -> ()
    %ge3A = arith.constant 14 : i32
    %ge3A_89 = arith.cmpi sge, %arg1, %ge3A : i32
    %convert_element_type3A = arith.extui %ge3A_89 : i1 to i32
    %cond3A = arith.constant 0 : i32
    %cond3A_90 = arith.cmpi ne, %convert_element_type3A, %cond3A : i32
    scf.if %cond3A_90 {
      %add3A_109 = arith.constant 48 : i32
      %add3A_110 = arith.addi %multiple_of3A, %add3A_109 : i32
      "tpu.region"() ({
        %run_scoped3A = tpu.sem_alloc : memref<!tpu.dma_semaphore, #tpu.memory_space<semaphore_mem>>
        %dma_start3A_111 = arith.constant 0 : i32
        %dma_start3A_112 = arith.constant 0 : i32
        %dma_start3A_113 = tpu.memref_slice %arg6[%dma_start3A_111, %dma_start3A_112] : memref<784x128xf32, #tpu.memory_space<vmem>> -> memref<8x128xf32, #tpu.memory_space<vmem>>
        %dma_start3A_114 = arith.constant 0 : i32
        %dma_start3A_115 = tpu.memref_slice %arg10[%add3A_110, %dma_start3A_114] : memref<784x128xf32, #tpu.memory_space<vmem_shared>> -> memref<8x128xf32, #tpu.memory_space<vmem_shared>>
        %dma_start3A_116 = arith.constant 0 : i32
        %dma_start3A_117 = tpu.memref_slice %arg10[%add3A_110, %dma_start3A_116] : memref<784x128xf32, #tpu.memory_space<vmem_shared>> -> memref<8x128xf32, #tpu.memory_space<vmem_shared>>
        %dma_start3A_118 = arith.constant 0 : i32
        %dma_start3A_119 = arith.constant 0 : i32
        %dma_start3A_120 = tpu.memref_slice %arg6[%dma_start3A_118, %dma_start3A_119] : memref<784x128xf32, #tpu.memory_space<vmem>> -> memref<8x128xf32, #tpu.memory_space<vmem>>
        tpu.enqueue_dma source(%dma_start3A_120 : memref<8x128xf32, #tpu.memory_space<vmem>>) target(%dma_start3A_117 : memref<8x128xf32, #tpu.memory_space<vmem_shared>>) target_semaphore(%run_scoped3A : memref<!tpu.dma_semaphore, #tpu.memory_space<semaphore_mem>>)
        %dma_wait3A = arith.constant 0 : i32
        %dma_wait3A_121 = arith.constant 0 : i32
        %dma_wait3A_122 = tpu.memref_slice %arg6[%dma_wait3A, %dma_wait3A_121] : memref<784x128xf32, #tpu.memory_space<vmem>> -> memref<8x128xf32, #tpu.memory_space<vmem>>
        %dma_wait3A_123 = arith.constant 0 : i32
        %dma_wait3A_124 = tpu.memref_slice %arg10[%add3A_110, %dma_wait3A_123] : memref<784x128xf32, #tpu.memory_space<vmem_shared>> -> memref<8x128xf32, #tpu.memory_space<vmem_shared>>
        %dma_wait3A_125 = arith.constant 0 : i32
        %dma_wait3A_126 = tpu.memref_slice %arg10[%add3A_110, %dma_wait3A_125] : memref<784x128xf32, #tpu.memory_space<vmem_shared>> -> memref<8x128xf32, #tpu.memory_space<vmem_shared>>
        %dma_wait3A_127 = arith.constant 0 : i32
        %dma_wait3A_128 = arith.constant 0 : i32
        %dma_wait3A_129 = tpu.memref_slice %arg6[%dma_wait3A_127, %dma_wait3A_128] : memref<784x128xf32, #tpu.memory_space<vmem>> -> memref<8x128xf32, #tpu.memory_space<vmem>>
        tpu.wait_dma2 semaphore(%run_scoped3A : memref<!tpu.dma_semaphore, #tpu.memory_space<semaphore_mem>>) src(%dma_wait3A_129 : memref<8x128xf32, #tpu.memory_space<vmem>>) dst(%dma_wait3A_126 : memref<8x128xf32, #tpu.memory_space<vmem_shared>>)
        tpu.yield
      }) : () -> ()
    } else {
    }
    %barrier3A = arith.constant 0 : index
    tpu.barrier barrier_id(%barrier3A)
    %scan3A_91 = arith.constant 0 : i32
    %scan3A_92 = arith.constant 16 : i32
    %scan3A_93 = arith.addi %scan3A_91, %scan3A_92 : i32
    %scan3A_94 = arith.constant 1 : i32
    scf.for %scan3A_109 = %scan3A_91 to %scan3A_93 step %scan3A_94  : i32 {
      %mul3A_110 = arith.constant 1 : i32
      %mul3A_111 = arith.muli %scan3A_109, %mul3A_110 : i32
      %add3A_112 = arith.constant 0 : i32
      %add3A_113 = arith.addi %add3A_112, %mul3A_111 : i32
      %mul3A_114 = arith.constant 3 : i32
      %mul3A_115 = arith.muli %mul3A_114, %add3A_113 : i32
      %add3A_116 = arith.constant 0 : i32
      %add3A_117 = arith.addi %mul3A_115, %add3A_116 : i32
      %mul3A_118 = arith.constant 2560 : i32
      %mul3A_119 = arith.muli %add3A_117, %mul3A_118 : i32
      %add3A_120 = arith.addi %select_n3A, %mul3A_119 : i32
      %dma_wait3A = arith.constant 0 : i32
      %dma_wait3A_121 = tpu.memref_slice %arg7[%dma_wait3A] : memref<7680xf32, #tpu.memory_space<vmem>> -> memref<2560xf32, #tpu.memory_space<vmem>>
      %dma_wait3A_122 = tpu.memref_slice %arg2[%add3A_120] : memref<4000000xf32, #tpu.memory_space<hbm>> -> memref<2560xf32, #tpu.memory_space<hbm>>
      %dma_wait3A_123 = arith.constant 0 : i32
      %dma_wait3A_124 = tpu.memref_slice %arg7[%dma_wait3A_123] : memref<7680xf32, #tpu.memory_space<vmem>> -> memref<2560xf32, #tpu.memory_space<vmem>>
      %dma_wait3A_125 = tpu.memref_slice %arg2[%add3A_120] : memref<4000000xf32, #tpu.memory_space<hbm>> -> memref<2560xf32, #tpu.memory_space<hbm>>
      tpu.wait_dma2 semaphore(%arg12 : memref<!tpu.dma_semaphore, #tpu.memory_space<semaphore_mem>>) src(%dma_wait3A_125 : memref<2560xf32, #tpu.memory_space<hbm>>) dst(%dma_wait3A_124 : memref<2560xf32, #tpu.memory_space<vmem>>)
      %dma_wait3A_126 = arith.constant 0 : i32
      %dma_wait3A_127 = tpu.memref_slice %arg8[%dma_wait3A_126] : memref<7680xf32, #tpu.memory_space<vmem>> -> memref<2560xf32, #tpu.memory_space<vmem>>
      %dma_wait3A_128 = tpu.memref_slice %arg3[%add3A_120] : memref<4000000xf32, #tpu.memory_space<hbm>> -> memref<2560xf32, #tpu.memory_space<hbm>>
      %dma_wait3A_129 = arith.constant 0 : i32
      %dma_wait3A_130 = tpu.memref_slice %arg8[%dma_wait3A_129] : memref<7680xf32, #tpu.memory_space<vmem>> -> memref<2560xf32, #tpu.memory_space<vmem>>
      %dma_wait3A_131 = tpu.memref_slice %arg3[%add3A_120] : memref<4000000xf32, #tpu.memory_space<hbm>> -> memref<2560xf32, #tpu.memory_space<hbm>>
      tpu.wait_dma2 semaphore(%arg12 : memref<!tpu.dma_semaphore, #tpu.memory_space<semaphore_mem>>) src(%dma_wait3A_131 : memref<2560xf32, #tpu.memory_space<hbm>>) dst(%dma_wait3A_130 : memref<2560xf32, #tpu.memory_space<vmem>>)
      %dma_wait3A_132 = arith.constant 0 : i32
      %dma_wait3A_133 = tpu.memref_slice %arg9[%dma_wait3A_132] : memref<7680xf32, #tpu.memory_space<vmem>> -> memref<2560xf32, #tpu.memory_space<vmem>>
      %dma_wait3A_134 = tpu.memref_slice %arg4[%add3A_120] : memref<4000000xf32, #tpu.memory_space<hbm>> -> memref<2560xf32, #tpu.memory_space<hbm>>
      %dma_wait3A_135 = arith.constant 0 : i32
      %dma_wait3A_136 = tpu.memref_slice %arg9[%dma_wait3A_135] : memref<7680xf32, #tpu.memory_space<vmem>> -> memref<2560xf32, #tpu.memory_space<vmem>>
      %dma_wait3A_137 = tpu.memref_slice %arg4[%add3A_120] : memref<4000000xf32, #tpu.memory_space<hbm>> -> memref<2560xf32, #tpu.memory_space<hbm>>
      tpu.wait_dma2 semaphore(%arg12 : memref<!tpu.dma_semaphore, #tpu.memory_space<semaphore_mem>>) src(%dma_wait3A_137 : memref<2560xf32, #tpu.memory_space<hbm>>) dst(%dma_wait3A_136 : memref<2560xf32, #tpu.memory_space<vmem>>)
      %parallel_loop3A_138 = arith.constant 0 : i32
      %parallel_loop3A_139 = arith.constant 2560 : i32
      %parallel_loop3A_140 = arith.constant 16 : i32
      scf.for %parallel_loop3A_212 = %parallel_loop3A_138 to %parallel_loop3A_139 step %parallel_loop3A_140  : i32 {
        %parallel_loop3A_213 = arith.constant 0 : i32
        %parallel_loop3A_214 = arith.addi %parallel_loop3A_213, %parallel_loop3A_212 : i32
        %parallel_loop3A_215 = arith.index_cast %parallel_loop3A_214 : i32 to index
        %parallel_loop3A_216 = tpu.vector_load %arg7[%parallel_loop3A_215] {strides = array<i32>} : memref<7680xf32, #tpu.memory_space<vmem>>, vector<16xf32>,
        %parallel_loop3A_217 = arith.constant 0 : i32
        %parallel_loop3A_218 = arith.addi %parallel_loop3A_217, %parallel_loop3A_212 : i32
        %parallel_loop3A_219 = arith.index_cast %parallel_loop3A_218 : i32 to index
        %parallel_loop3A_220 = tpu.vector_load %arg8[%parallel_loop3A_219] {strides = array<i32>} : memref<7680xf32, #tpu.memory_space<vmem>>, vector<16xf32>,
        %parallel_loop3A_221 = arith.constant 0 : i32
        %parallel_loop3A_222 = arith.addi %parallel_loop3A_221, %parallel_loop3A_212 : i32
        %parallel_loop3A_223 = arith.index_cast %parallel_loop3A_222 : i32 to index
        %parallel_loop3A_224 = tpu.vector_load %arg9[%parallel_loop3A_223] {strides = array<i32>} : memref<7680xf32, #tpu.memory_space<vmem>>, vector<16xf32>,
        %parallel_loop3A_225 = arith.subf %parallel_loop3A_216, %parallel_loop3A_220 : vector<16xf32>
        %parallel_loop3A_226 = arith.constant 1.000000e+05 : f32
        %parallel_loop3A_227 = vector.broadcast %parallel_loop3A_226 : f32 to vector<16xf32>
        %parallel_loop3A_228 = arith.mulf %parallel_loop3A_224, %parallel_loop3A_227 : vector<16xf32>
        %parallel_loop3A_229 = arith.fptosi %parallel_loop3A_228 : vector<16xf32> to vector<16xi32>
        %parallel_loop3A_230 = arith.constant 0 : i32
        %parallel_loop3A_231 = vector.broadcast %parallel_loop3A_230 : i32 to vector<16xi32>
        %parallel_loop3A_232 = arith.maxsi %parallel_loop3A_229, %parallel_loop3A_231 : vector<16xi32>
        %parallel_loop3A_233 = arith.constant 99999 : i32
        %parallel_loop3A_234 = vector.broadcast %parallel_loop3A_233 : i32 to vector<16xi32>
        %parallel_loop3A_235 = arith.minsi %parallel_loop3A_232, %parallel_loop3A_234 : vector<16xi32>
        %parallel_loop3A_236 = arith.constant 7 : i32
        %parallel_loop3A_237 = vector.broadcast %parallel_loop3A_236 : i32 to vector<16xi32>
        %parallel_loop3A_238 = arith.shrui %parallel_loop3A_235, %parallel_loop3A_237 : vector<16xi32>
        %parallel_loop3A_239 = arith.constant 127 : i32
        %parallel_loop3A_240 = vector.broadcast %parallel_loop3A_239 : i32 to vector<16xi32>
        %parallel_loop3A_241 = arith.andi %parallel_loop3A_235, %parallel_loop3A_240 : vector<16xi32>
        tpu.vector_store_idx %arg6[%parallel_loop3A_238, %parallel_loop3A_241], %parallel_loop3A_225 {add = true} : memref<784x128xf32, #tpu.memory_space<vmem>>[vector<16xi32>, vector<16xi32>], vector<16xf32>,
      } {sc.loop_unroll_factor = 16 : i64, sc.parallel_access}
      %lt3A_141 = arith.constant 15 : i32
      %lt3A_142 = arith.cmpi slt, %add3A_113, %lt3A_141 : i32
      %convert_element_type3A_143 = arith.extui %lt3A_142 : i1 to i32
      %cond3A_144 = arith.constant 0 : i32
      %cond3A_145 = arith.cmpi ne, %convert_element_type3A_143, %cond3A_144 : i32
      scf.if %cond3A_145 {
        %mul3A_212 = arith.constant 3 : i32
        %mul3A_213 = arith.muli %mul3A_212, %add3A_113 : i32
        %add3A_214 = arith.constant 0 : i32
        %add3A_215 = arith.addi %mul3A_213, %add3A_214 : i32
        %add3A_216 = arith.constant 3 : i32
        %add3A_217 = arith.addi %add3A_215, %add3A_216 : i32
        %mul3A_218 = arith.constant 2560 : i32
        %mul3A_219 = arith.muli %add3A_217, %mul3A_218 : i32
        %add3A_220 = arith.addi %select_n3A, %mul3A_219 : i32
        %dma_start3A_221 = arith.constant 0 : i32
        %dma_start3A_222 = tpu.memref_slice %arg7[%dma_start3A_221] : memref<7680xf32, #tpu.memory_space<vmem>> -> memref<2560xf32, #tpu.memory_space<vmem>>
        %dma_start3A_223 = tpu.memref_slice %arg2[%add3A_220] : memref<4000000xf32, #tpu.memory_space<hbm>> -> memref<2560xf32, #tpu.memory_space<hbm>>
        %dma_start3A_224 = arith.constant 0 : i32
        %dma_start3A_225 = tpu.memref_slice %arg7[%dma_start3A_224] : memref<7680xf32, #tpu.memory_space<vmem>> -> memref<2560xf32, #tpu.memory_space<vmem>>
        %dma_start3A_226 = tpu.memref_slice %arg2[%add3A_220] : memref<4000000xf32, #tpu.memory_space<hbm>> -> memref<2560xf32, #tpu.memory_space<hbm>>
        tpu.enqueue_dma source(%dma_start3A_226 : memref<2560xf32, #tpu.memory_space<hbm>>) target(%dma_start3A_225 : memref<2560xf32, #tpu.memory_space<vmem>>) target_semaphore(%arg12 : memref<!tpu.dma_semaphore, #tpu.memory_space<semaphore_mem>>)
        %dma_start3A_227 = arith.constant 0 : i32
        %dma_start3A_228 = tpu.memref_slice %arg8[%dma_start3A_227] : memref<7680xf32, #tpu.memory_space<vmem>> -> memref<2560xf32, #tpu.memory_space<vmem>>
        %dma_start3A_229 = tpu.memref_slice %arg3[%add3A_220] : memref<4000000xf32, #tpu.memory_space<hbm>> -> memref<2560xf32, #tpu.memory_space<hbm>>
        %dma_start3A_230 = arith.constant 0 : i32
        %dma_start3A_231 = tpu.memref_slice %arg8[%dma_start3A_230] : memref<7680xf32, #tpu.memory_space<vmem>> -> memref<2560xf32, #tpu.memory_space<vmem>>
        %dma_start3A_232 = tpu.memref_slice %arg3[%add3A_220] : memref<4000000xf32, #tpu.memory_space<hbm>> -> memref<2560xf32, #tpu.memory_space<hbm>>
        tpu.enqueue_dma source(%dma_start3A_232 : memref<2560xf32, #tpu.memory_space<hbm>>) target(%dma_start3A_231 : memref<2560xf32, #tpu.memory_space<vmem>>) target_semaphore(%arg12 : memref<!tpu.dma_semaphore, #tpu.memory_space<semaphore_mem>>)
        %dma_start3A_233 = arith.constant 0 : i32
        %dma_start3A_234 = tpu.memref_slice %arg9[%dma_start3A_233] : memref<7680xf32, #tpu.memory_space<vmem>> -> memref<2560xf32, #tpu.memory_space<vmem>>
        %dma_start3A_235 = tpu.memref_slice %arg4[%add3A_220] : memref<4000000xf32, #tpu.memory_space<hbm>> -> memref<2560xf32, #tpu.memory_space<hbm>>
        %dma_start3A_236 = arith.constant 0 : i32
        %dma_start3A_237 = tpu.memref_slice %arg9[%dma_start3A_236] : memref<7680xf32, #tpu.memory_space<vmem>> -> memref<2560xf32, #tpu.memory_space<vmem>>
        %dma_start3A_238 = tpu.memref_slice %arg4[%add3A_220] : memref<4000000xf32, #tpu.memory_space<hbm>> -> memref<2560xf32, #tpu.memory_space<hbm>>
        tpu.enqueue_dma source(%dma_start3A_238 : memref<2560xf32, #tpu.memory_space<hbm>>) target(%dma_start3A_237 : memref<2560xf32, #tpu.memory_space<vmem>>) target_semaphore(%arg12 : memref<!tpu.dma_semaphore, #tpu.memory_space<semaphore_mem>>)
      } else {
      }
      %mul3A_146 = arith.constant 3 : i32
      %mul3A_147 = arith.muli %mul3A_146, %add3A_113 : i32
      %add3A_148 = arith.constant 1 : i32
      %add3A_149 = arith.addi %mul3A_147, %add3A_148 : i32
      %mul3A_150 = arith.constant 2560 : i32
      %mul3A_151 = arith.muli %add3A_149, %mul3A_150 : i32
      %add3A_152 = arith.addi %select_n3A, %mul3A_151 : i32
      %dma_wait3A_153 = arith.constant 2560 : i32
      %dma_wait3A_154 = tpu.memref_slice %arg7[%dma_wait3A_153] : memref<7680xf32, #tpu.memory_space<vmem>> -> memref<2560xf32, #tpu.memory_space<vmem>>
      %dma_wait3A_155 = tpu.memref_slice %arg2[%add3A_152] : memref<4000000xf32, #tpu.memory_space<hbm>> -> memref<2560xf32, #tpu.memory_space<hbm>>
      %dma_wait3A_156 = arith.constant 2560 : i32
      %dma_wait3A_157 = tpu.memref_slice %arg7[%dma_wait3A_156] : memref<7680xf32, #tpu.memory_space<vmem>> -> memref<2560xf32, #tpu.memory_space<vmem>>
      %dma_wait3A_158 = tpu.memref_slice %arg2[%add3A_152] : memref<4000000xf32, #tpu.memory_space<hbm>> -> memref<2560xf32, #tpu.memory_space<hbm>>
      tpu.wait_dma2 semaphore(%arg13 : memref<!tpu.dma_semaphore, #tpu.memory_space<semaphore_mem>>) src(%dma_wait3A_158 : memref<2560xf32, #tpu.memory_space<hbm>>) dst(%dma_wait3A_157 : memref<2560xf32, #tpu.memory_space<vmem>>)
      %dma_wait3A_159 = arith.constant 2560 : i32
      %dma_wait3A_160 = tpu.memref_slice %arg8[%dma_wait3A_159] : memref<7680xf32, #tpu.memory_space<vmem>> -> memref<2560xf32, #tpu.memory_space<vmem>>
      %dma_wait3A_161 = tpu.memref_slice %arg3[%add3A_152] : memref<4000000xf32, #tpu.memory_space<hbm>> -> memref<2560xf32, #tpu.memory_space<hbm>>
      %dma_wait3A_162 = arith.constant 2560 : i32
      %dma_wait3A_163 = tpu.memref_slice %arg8[%dma_wait3A_162] : memref<7680xf32, #tpu.memory_space<vmem>> -> memref<2560xf32, #tpu.memory_space<vmem>>
      %dma_wait3A_164 = tpu.memref_slice %arg3[%add3A_152] : memref<4000000xf32, #tpu.memory_space<hbm>> -> memref<2560xf32, #tpu.memory_space<hbm>>
      tpu.wait_dma2 semaphore(%arg13 : memref<!tpu.dma_semaphore, #tpu.memory_space<semaphore_mem>>) src(%dma_wait3A_164 : memref<2560xf32, #tpu.memory_space<hbm>>) dst(%dma_wait3A_163 : memref<2560xf32, #tpu.memory_space<vmem>>)
      %dma_wait3A_165 = arith.constant 2560 : i32
      %dma_wait3A_166 = tpu.memref_slice %arg9[%dma_wait3A_165] : memref<7680xf32, #tpu.memory_space<vmem>> -> memref<2560xf32, #tpu.memory_space<vmem>>
      %dma_wait3A_167 = tpu.memref_slice %arg4[%add3A_152] : memref<4000000xf32, #tpu.memory_space<hbm>> -> memref<2560xf32, #tpu.memory_space<hbm>>
      %dma_wait3A_168 = arith.constant 2560 : i32
      %dma_wait3A_169 = tpu.memref_slice %arg9[%dma_wait3A_168] : memref<7680xf32, #tpu.memory_space<vmem>> -> memref<2560xf32, #tpu.memory_space<vmem>>
      %dma_wait3A_170 = tpu.memref_slice %arg4[%add3A_152] : memref<4000000xf32, #tpu.memory_space<hbm>> -> memref<2560xf32, #tpu.memory_space<hbm>>
      tpu.wait_dma2 semaphore(%arg13 : memref<!tpu.dma_semaphore, #tpu.memory_space<semaphore_mem>>) src(%dma_wait3A_170 : memref<2560xf32, #tpu.memory_space<hbm>>) dst(%dma_wait3A_169 : memref<2560xf32, #tpu.memory_space<vmem>>)
      %parallel_loop3A_171 = arith.constant 0 : i32
      %parallel_loop3A_172 = arith.constant 2560 : i32
      %parallel_loop3A_173 = arith.constant 16 : i32
      scf.for %parallel_loop3A_212 = %parallel_loop3A_171 to %parallel_loop3A_172 step %parallel_loop3A_173  : i32 {
        %parallel_loop3A_213 = arith.constant 2560 : i32
        %parallel_loop3A_214 = arith.addi %parallel_loop3A_213, %parallel_loop3A_212 : i32
        %parallel_loop3A_215 = arith.index_cast %parallel_loop3A_214 : i32 to index
        %parallel_loop3A_216 = tpu.vector_load %arg7[%parallel_loop3A_215] {strides = array<i32>} : memref<7680xf32, #tpu.memory_space<vmem>>, vector<16xf32>,
        %parallel_loop3A_217 = arith.constant 2560 : i32
        %parallel_loop3A_218 = arith.addi %parallel_loop3A_217, %parallel_loop3A_212 : i32
        %parallel_loop3A_219 = arith.index_cast %parallel_loop3A_218 : i32 to index
        %parallel_loop3A_220 = tpu.vector_load %arg8[%parallel_loop3A_219] {strides = array<i32>} : memref<7680xf32, #tpu.memory_space<vmem>>, vector<16xf32>,
        %parallel_loop3A_221 = arith.constant 2560 : i32
        %parallel_loop3A_222 = arith.addi %parallel_loop3A_221, %parallel_loop3A_212 : i32
        %parallel_loop3A_223 = arith.index_cast %parallel_loop3A_222 : i32 to index
        %parallel_loop3A_224 = tpu.vector_load %arg9[%parallel_loop3A_223] {strides = array<i32>} : memref<7680xf32, #tpu.memory_space<vmem>>, vector<16xf32>,
        %parallel_loop3A_225 = arith.subf %parallel_loop3A_216, %parallel_loop3A_220 : vector<16xf32>
        %parallel_loop3A_226 = arith.constant 1.000000e+05 : f32
        %parallel_loop3A_227 = vector.broadcast %parallel_loop3A_226 : f32 to vector<16xf32>
        %parallel_loop3A_228 = arith.mulf %parallel_loop3A_224, %parallel_loop3A_227 : vector<16xf32>
        %parallel_loop3A_229 = arith.fptosi %parallel_loop3A_228 : vector<16xf32> to vector<16xi32>
        %parallel_loop3A_230 = arith.constant 0 : i32
        %parallel_loop3A_231 = vector.broadcast %parallel_loop3A_230 : i32 to vector<16xi32>
        %parallel_loop3A_232 = arith.maxsi %parallel_loop3A_229, %parallel_loop3A_231 : vector<16xi32>
        %parallel_loop3A_233 = arith.constant 99999 : i32
        %parallel_loop3A_234 = vector.broadcast %parallel_loop3A_233 : i32 to vector<16xi32>
        %parallel_loop3A_235 = arith.minsi %parallel_loop3A_232, %parallel_loop3A_234 : vector<16xi32>
        %parallel_loop3A_236 = arith.constant 7 : i32
        %parallel_loop3A_237 = vector.broadcast %parallel_loop3A_236 : i32 to vector<16xi32>
        %parallel_loop3A_238 = arith.shrui %parallel_loop3A_235, %parallel_loop3A_237 : vector<16xi32>
        %parallel_loop3A_239 = arith.constant 127 : i32
        %parallel_loop3A_240 = vector.broadcast %parallel_loop3A_239 : i32 to vector<16xi32>
        %parallel_loop3A_241 = arith.andi %parallel_loop3A_235, %parallel_loop3A_240 : vector<16xi32>
        tpu.vector_store_idx %arg6[%parallel_loop3A_238, %parallel_loop3A_241], %parallel_loop3A_225 {add = true} : memref<784x128xf32, #tpu.memory_space<vmem>>[vector<16xi32>, vector<16xi32>], vector<16xf32>,
      } {sc.loop_unroll_factor = 16 : i64, sc.parallel_access}
      %lt3A_174 = arith.constant 15 : i32
      %lt3A_175 = arith.cmpi slt, %add3A_113, %lt3A_174 : i32
      %convert_element_type3A_176 = arith.extui %lt3A_175 : i1 to i32
      %cond3A_177 = arith.constant 0 : i32
      %cond3A_178 = arith.cmpi ne, %convert_element_type3A_176, %cond3A_177 : i32
      scf.if %cond3A_178 {
        %mul3A_212 = arith.constant 3 : i32
        %mul3A_213 = arith.muli %mul3A_212, %add3A_113 : i32
        %add3A_214 = arith.constant 1 : i32
        %add3A_215 = arith.addi %mul3A_213, %add3A_214 : i32
        %add3A_216 = arith.constant 3 : i32
        %add3A_217 = arith.addi %add3A_215, %add3A_216 : i32
        %mul3A_218 = arith.constant 2560 : i32
        %mul3A_219 = arith.muli %add3A_217, %mul3A_218 : i32
        %add3A_220 = arith.addi %select_n3A, %mul3A_219 : i32
        %dma_start3A_221 = arith.constant 2560 : i32
        %dma_start3A_222 = tpu.memref_slice %arg7[%dma_start3A_221] : memref<7680xf32, #tpu.memory_space<vmem>> -> memref<2560xf32, #tpu.memory_space<vmem>>
        %dma_start3A_223 = tpu.memref_slice %arg2[%add3A_220] : memref<4000000xf32, #tpu.memory_space<hbm>> -> memref<2560xf32, #tpu.memory_space<hbm>>
        %dma_start3A_224 = arith.constant 2560 : i32
        %dma_start3A_225 = tpu.memref_slice %arg7[%dma_start3A_224] : memref<7680xf32, #tpu.memory_space<vmem>> -> memref<2560xf32, #tpu.memory_space<vmem>>
        %dma_start3A_226 = tpu.memref_slice %arg2[%add3A_220] : memref<4000000xf32, #tpu.memory_space<hbm>> -> memref<2560xf32, #tpu.memory_space<hbm>>
        tpu.enqueue_dma source(%dma_start3A_226 : memref<2560xf32, #tpu.memory_space<hbm>>) target(%dma_start3A_225 : memref<2560xf32, #tpu.memory_space<vmem>>) target_semaphore(%arg13 : memref<!tpu.dma_semaphore, #tpu.memory_space<semaphore_mem>>)
        %dma_start3A_227 = arith.constant 2560 : i32
        %dma_start3A_228 = tpu.memref_slice %arg8[%dma_start3A_227] : memref<7680xf32, #tpu.memory_space<vmem>> -> memref<2560xf32, #tpu.memory_space<vmem>>
        %dma_start3A_229 = tpu.memref_slice %arg3[%add3A_220] : memref<4000000xf32, #tpu.memory_space<hbm>> -> memref<2560xf32, #tpu.memory_space<hbm>>
        %dma_start3A_230 = arith.constant 2560 : i32
        %dma_start3A_231 = tpu.memref_slice %arg8[%dma_start3A_230] : memref<7680xf32, #tpu.memory_space<vmem>> -> memref<2560xf32, #tpu.memory_space<vmem>>
        %dma_start3A_232 = tpu.memref_slice %arg3[%add3A_220] : memref<4000000xf32, #tpu.memory_space<hbm>> -> memref<2560xf32, #tpu.memory_space<hbm>>
        tpu.enqueue_dma source(%dma_start3A_232 : memref<2560xf32, #tpu.memory_space<hbm>>) target(%dma_start3A_231 : memref<2560xf32, #tpu.memory_space<vmem>>) target_semaphore(%arg13 : memref<!tpu.dma_semaphore, #tpu.memory_space<semaphore_mem>>)
        %dma_start3A_233 = arith.constant 2560 : i32
        %dma_start3A_234 = tpu.memref_slice %arg9[%dma_start3A_233] : memref<7680xf32, #tpu.memory_space<vmem>> -> memref<2560xf32, #tpu.memory_space<vmem>>
        %dma_start3A_235 = tpu.memref_slice %arg4[%add3A_220] : memref<4000000xf32, #tpu.memory_space<hbm>> -> memref<2560xf32, #tpu.memory_space<hbm>>
        %dma_start3A_236 = arith.constant 2560 : i32
        %dma_start3A_237 = tpu.memref_slice %arg9[%dma_start3A_236] : memref<7680xf32, #tpu.memory_space<vmem>> -> memref<2560xf32, #tpu.memory_space<vmem>>
        %dma_start3A_238 = tpu.memref_slice %arg4[%add3A_220] : memref<4000000xf32, #tpu.memory_space<hbm>> -> memref<2560xf32, #tpu.memory_space<hbm>>
        tpu.enqueue_dma source(%dma_start3A_238 : memref<2560xf32, #tpu.memory_space<hbm>>) target(%dma_start3A_237 : memref<2560xf32, #tpu.memory_space<vmem>>) target_semaphore(%arg13 : memref<!tpu.dma_semaphore, #tpu.memory_space<semaphore_mem>>)
      } else {
      }
      %mul3A_179 = arith.constant 3 : i32
      %mul3A_180 = arith.muli %mul3A_179, %add3A_113 : i32
      %add3A_181 = arith.constant 2 : i32
      %add3A_182 = arith.addi %mul3A_180, %add3A_181 : i32
      %mul3A_183 = arith.constant 2560 : i32
      %mul3A_184 = arith.muli %add3A_182, %mul3A_183 : i32
      %add3A_185 = arith.addi %select_n3A, %mul3A_184 : i32
      %dma_wait3A_186 = arith.constant 5120 : i32
      %dma_wait3A_187 = tpu.memref_slice %arg7[%dma_wait3A_186] : memref<7680xf32, #tpu.memory_space<vmem>> -> memref<2560xf32, #tpu.memory_space<vmem>>
      %dma_wait3A_188 = tpu.memref_slice %arg2[%add3A_185] : memref<4000000xf32, #tpu.memory_space<hbm>> -> memref<2560xf32, #tpu.memory_space<hbm>>
      %dma_wait3A_189 = arith.constant 5120 : i32
      %dma_wait3A_190 = tpu.memref_slice %arg7[%dma_wait3A_189] : memref<7680xf32, #tpu.memory_space<vmem>> -> memref<2560xf32, #tpu.memory_space<vmem>>
      %dma_wait3A_191 = tpu.memref_slice %arg2[%add3A_185] : memref<4000000xf32, #tpu.memory_space<hbm>> -> memref<2560xf32, #tpu.memory_space<hbm>>
      tpu.wait_dma2 semaphore(%arg14 : memref<!tpu.dma_semaphore, #tpu.memory_space<semaphore_mem>>) src(%dma_wait3A_191 : memref<2560xf32, #tpu.memory_space<hbm>>) dst(%dma_wait3A_190 : memref<2560xf32, #tpu.memory_space<vmem>>)
      %dma_wait3A_192 = arith.constant 5120 : i32
      %dma_wait3A_193 = tpu.memref_slice %arg8[%dma_wait3A_192] : memref<7680xf32, #tpu.memory_space<vmem>> -> memref<2560xf32, #tpu.memory_space<vmem>>
      %dma_wait3A_194 = tpu.memref_slice %arg3[%add3A_185] : memref<4000000xf32, #tpu.memory_space<hbm>> -> memref<2560xf32, #tpu.memory_space<hbm>>
      %dma_wait3A_195 = arith.constant 5120 : i32
      %dma_wait3A_196 = tpu.memref_slice %arg8[%dma_wait3A_195] : memref<7680xf32, #tpu.memory_space<vmem>> -> memref<2560xf32, #tpu.memory_space<vmem>>
      %dma_wait3A_197 = tpu.memref_slice %arg3[%add3A_185] : memref<4000000xf32, #tpu.memory_space<hbm>> -> memref<2560xf32, #tpu.memory_space<hbm>>
      tpu.wait_dma2 semaphore(%arg14 : memref<!tpu.dma_semaphore, #tpu.memory_space<semaphore_mem>>) src(%dma_wait3A_197 : memref<2560xf32, #tpu.memory_space<hbm>>) dst(%dma_wait3A_196 : memref<2560xf32, #tpu.memory_space<vmem>>)
      %dma_wait3A_198 = arith.constant 5120 : i32
      %dma_wait3A_199 = tpu.memref_slice %arg9[%dma_wait3A_198] : memref<7680xf32, #tpu.memory_space<vmem>> -> memref<2560xf32, #tpu.memory_space<vmem>>
      %dma_wait3A_200 = tpu.memref_slice %arg4[%add3A_185] : memref<4000000xf32, #tpu.memory_space<hbm>> -> memref<2560xf32, #tpu.memory_space<hbm>>
      %dma_wait3A_201 = arith.constant 5120 : i32
      %dma_wait3A_202 = tpu.memref_slice %arg9[%dma_wait3A_201] : memref<7680xf32, #tpu.memory_space<vmem>> -> memref<2560xf32, #tpu.memory_space<vmem>>
      %dma_wait3A_203 = tpu.memref_slice %arg4[%add3A_185] : memref<4000000xf32, #tpu.memory_space<hbm>> -> memref<2560xf32, #tpu.memory_space<hbm>>
      tpu.wait_dma2 semaphore(%arg14 : memref<!tpu.dma_semaphore, #tpu.memory_space<semaphore_mem>>) src(%dma_wait3A_203 : memref<2560xf32, #tpu.memory_space<hbm>>) dst(%dma_wait3A_202 : memref<2560xf32, #tpu.memory_space<vmem>>)
      %parallel_loop3A_204 = arith.constant 0 : i32
      %parallel_loop3A_205 = arith.constant 2560 : i32
      %parallel_loop3A_206 = arith.constant 16 : i32
      scf.for %parallel_loop3A_212 = %parallel_loop3A_204 to %parallel_loop3A_205 step %parallel_loop3A_206  : i32 {
        %parallel_loop3A_213 = arith.constant 5120 : i32
        %parallel_loop3A_214 = arith.addi %parallel_loop3A_213, %parallel_loop3A_212 : i32
        %parallel_loop3A_215 = arith.index_cast %parallel_loop3A_214 : i32 to index
        %parallel_loop3A_216 = tpu.vector_load %arg7[%parallel_loop3A_215] {strides = array<i32>} : memref<7680xf32, #tpu.memory_space<vmem>>, vector<16xf32>,
        %parallel_loop3A_217 = arith.constant 5120 : i32
        %parallel_loop3A_218 = arith.addi %parallel_loop3A_217, %parallel_loop3A_212 : i32
        %parallel_loop3A_219 = arith.index_cast %parallel_loop3A_218 : i32 to index
        %parallel_loop3A_220 = tpu.vector_load %arg8[%parallel_loop3A_219] {strides = array<i32>} : memref<7680xf32, #tpu.memory_space<vmem>>, vector<16xf32>,
        %parallel_loop3A_221 = arith.constant 5120 : i32
        %parallel_loop3A_222 = arith.addi %parallel_loop3A_221, %parallel_loop3A_212 : i32
        %parallel_loop3A_223 = arith.index_cast %parallel_loop3A_222 : i32 to index
        %parallel_loop3A_224 = tpu.vector_load %arg9[%parallel_loop3A_223] {strides = array<i32>} : memref<7680xf32, #tpu.memory_space<vmem>>, vector<16xf32>,
        %parallel_loop3A_225 = arith.subf %parallel_loop3A_216, %parallel_loop3A_220 : vector<16xf32>
        %parallel_loop3A_226 = arith.constant 1.000000e+05 : f32
        %parallel_loop3A_227 = vector.broadcast %parallel_loop3A_226 : f32 to vector<16xf32>
        %parallel_loop3A_228 = arith.mulf %parallel_loop3A_224, %parallel_loop3A_227 : vector<16xf32>
        %parallel_loop3A_229 = arith.fptosi %parallel_loop3A_228 : vector<16xf32> to vector<16xi32>
        %parallel_loop3A_230 = arith.constant 0 : i32
        %parallel_loop3A_231 = vector.broadcast %parallel_loop3A_230 : i32 to vector<16xi32>
        %parallel_loop3A_232 = arith.maxsi %parallel_loop3A_229, %parallel_loop3A_231 : vector<16xi32>
        %parallel_loop3A_233 = arith.constant 99999 : i32
        %parallel_loop3A_234 = vector.broadcast %parallel_loop3A_233 : i32 to vector<16xi32>
        %parallel_loop3A_235 = arith.minsi %parallel_loop3A_232, %parallel_loop3A_234 : vector<16xi32>
        %parallel_loop3A_236 = arith.constant 7 : i32
        %parallel_loop3A_237 = vector.broadcast %parallel_loop3A_236 : i32 to vector<16xi32>
        %parallel_loop3A_238 = arith.shrui %parallel_loop3A_235, %parallel_loop3A_237 : vector<16xi32>
        %parallel_loop3A_239 = arith.constant 127 : i32
        %parallel_loop3A_240 = vector.broadcast %parallel_loop3A_239 : i32 to vector<16xi32>
        %parallel_loop3A_241 = arith.andi %parallel_loop3A_235, %parallel_loop3A_240 : vector<16xi32>
        tpu.vector_store_idx %arg6[%parallel_loop3A_238, %parallel_loop3A_241], %parallel_loop3A_225 {add = true} : memref<784x128xf32, #tpu.memory_space<vmem>>[vector<16xi32>, vector<16xi32>], vector<16xf32>,
      } {sc.loop_unroll_factor = 16 : i64, sc.parallel_access}
      %lt3A_207 = arith.constant 15 : i32
      %lt3A_208 = arith.cmpi slt, %add3A_113, %lt3A_207 : i32
      %convert_element_type3A_209 = arith.extui %lt3A_208 : i1 to i32
      %cond3A_210 = arith.constant 0 : i32
      %cond3A_211 = arith.cmpi ne, %convert_element_type3A_209, %cond3A_210 : i32
      scf.if %cond3A_211 {
        %mul3A_212 = arith.constant 3 : i32
        %mul3A_213 = arith.muli %mul3A_212, %add3A_113 : i32
        %add3A_214 = arith.constant 2 : i32
        %add3A_215 = arith.addi %mul3A_213, %add3A_214 : i32
        %add3A_216 = arith.constant 3 : i32
        %add3A_217 = arith.addi %add3A_215, %add3A_216 : i32
        %mul3A_218 = arith.constant 2560 : i32
        %mul3A_219 = arith.muli %add3A_217, %mul3A_218 : i32
        %add3A_220 = arith.addi %select_n3A, %mul3A_219 : i32
        %dma_start3A_221 = arith.constant 5120 : i32
        %dma_start3A_222 = tpu.memref_slice %arg7[%dma_start3A_221] : memref<7680xf32, #tpu.memory_space<vmem>> -> memref<2560xf32, #tpu.memory_space<vmem>>
        %dma_start3A_223 = tpu.memref_slice %arg2[%add3A_220] : memref<4000000xf32, #tpu.memory_space<hbm>> -> memref<2560xf32, #tpu.memory_space<hbm>>
        %dma_start3A_224 = arith.constant 5120 : i32
        %dma_start3A_225 = tpu.memref_slice %arg7[%dma_start3A_224] : memref<7680xf32, #tpu.memory_space<vmem>> -> memref<2560xf32, #tpu.memory_space<vmem>>
        %dma_start3A_226 = tpu.memref_slice %arg2[%add3A_220] : memref<4000000xf32, #tpu.memory_space<hbm>> -> memref<2560xf32, #tpu.memory_space<hbm>>
        tpu.enqueue_dma source(%dma_start3A_226 : memref<2560xf32, #tpu.memory_space<hbm>>) target(%dma_start3A_225 : memref<2560xf32, #tpu.memory_space<vmem>>) target_semaphore(%arg14 : memref<!tpu.dma_semaphore, #tpu.memory_space<semaphore_mem>>)
        %dma_start3A_227 = arith.constant 5120 : i32
        %dma_start3A_228 = tpu.memref_slice %arg8[%dma_start3A_227] : memref<7680xf32, #tpu.memory_space<vmem>> -> memref<2560xf32, #tpu.memory_space<vmem>>
        %dma_start3A_229 = tpu.memref_slice %arg3[%add3A_220] : memref<4000000xf32, #tpu.memory_space<hbm>> -> memref<2560xf32, #tpu.memory_space<hbm>>
        %dma_start3A_230 = arith.constant 5120 : i32
        %dma_start3A_231 = tpu.memref_slice %arg8[%dma_start3A_230] : memref<7680xf32, #tpu.memory_space<vmem>> -> memref<2560xf32, #tpu.memory_space<vmem>>
        %dma_start3A_232 = tpu.memref_slice %arg3[%add3A_220] : memref<4000000xf32, #tpu.memory_space<hbm>> -> memref<2560xf32, #tpu.memory_space<hbm>>
        tpu.enqueue_dma source(%dma_start3A_232 : memref<2560xf32, #tpu.memory_space<hbm>>) target(%dma_start3A_231 : memref<2560xf32, #tpu.memory_space<vmem>>) target_semaphore(%arg14 : memref<!tpu.dma_semaphore, #tpu.memory_space<semaphore_mem>>)
        %dma_start3A_233 = arith.constant 5120 : i32
        %dma_start3A_234 = tpu.memref_slice %arg9[%dma_start3A_233] : memref<7680xf32, #tpu.memory_space<vmem>> -> memref<2560xf32, #tpu.memory_space<vmem>>
        %dma_start3A_235 = tpu.memref_slice %arg4[%add3A_220] : memref<4000000xf32, #tpu.memory_space<hbm>> -> memref<2560xf32, #tpu.memory_space<hbm>>
        %dma_start3A_236 = arith.constant 5120 : i32
        %dma_start3A_237 = tpu.memref_slice %arg9[%dma_start3A_236] : memref<7680xf32, #tpu.memory_space<vmem>> -> memref<2560xf32, #tpu.memory_space<vmem>>
        %dma_start3A_238 = tpu.memref_slice %arg4[%add3A_220] : memref<4000000xf32, #tpu.memory_space<hbm>> -> memref<2560xf32, #tpu.memory_space<hbm>>
        tpu.enqueue_dma source(%dma_start3A_238 : memref<2560xf32, #tpu.memory_space<hbm>>) target(%dma_start3A_237 : memref<2560xf32, #tpu.memory_space<vmem>>) target_semaphore(%arg14 : memref<!tpu.dma_semaphore, #tpu.memory_space<semaphore_mem>>)
      } else {
      }
    }
    %scan3A_95 = arith.constant 16 : i32
    %add3A_96 = arith.constant 122880 : i32
    %add3A_97 = arith.addi %select_n3A, %add3A_96 : i32
    "tpu.region"() ({
      %run_scoped3A = tpu.sem_alloc : memref<!tpu.dma_semaphore, #tpu.memory_space<semaphore_mem>>
      %dma_start3A_109 = arith.constant 0 : i32
      %dma_start3A_110 = tpu.memref_slice %arg7[%dma_start3A_109] : memref<7680xf32, #tpu.memory_space<vmem>> -> memref<2112xf32, #tpu.memory_space<vmem>>
      %dma_start3A_111 = tpu.memref_slice %arg2[%add3A_97] : memref<4000000xf32, #tpu.memory_space<hbm>> -> memref<2112xf32, #tpu.memory_space<hbm>>
      %dma_start3A_112 = arith.constant 0 : i32
      %dma_start3A_113 = tpu.memref_slice %arg7[%dma_start3A_112] : memref<7680xf32, #tpu.memory_space<vmem>> -> memref<2112xf32, #tpu.memory_space<vmem>>
      %dma_start3A_114 = tpu.memref_slice %arg2[%add3A_97] : memref<4000000xf32, #tpu.memory_space<hbm>> -> memref<2112xf32, #tpu.memory_space<hbm>>
      tpu.enqueue_dma source(%dma_start3A_114 : memref<2112xf32, #tpu.memory_space<hbm>>) target(%dma_start3A_113 : memref<2112xf32, #tpu.memory_space<vmem>>) target_semaphore(%run_scoped3A : memref<!tpu.dma_semaphore, #tpu.memory_space<semaphore_mem>>)
      %dma_wait3A = arith.constant 0 : i32
      %dma_wait3A_115 = tpu.memref_slice %arg7[%dma_wait3A] : memref<7680xf32, #tpu.memory_space<vmem>> -> memref<2112xf32, #tpu.memory_space<vmem>>
      %dma_wait3A_116 = tpu.memref_slice %arg2[%add3A_97] : memref<4000000xf32, #tpu.memory_space<hbm>> -> memref<2112xf32, #tpu.memory_space<hbm>>
      %dma_wait3A_117 = arith.constant 0 : i32
      %dma_wait3A_118 = tpu.memref_slice %arg7[%dma_wait3A_117] : memref<7680xf32, #tpu.memory_space<vmem>> -> memref<2112xf32, #tpu.memory_space<vmem>>
      %dma_wait3A_119 = tpu.memref_slice %arg2[%add3A_97] : memref<4000000xf32, #tpu.memory_space<hbm>> -> memref<2112xf32, #tpu.memory_space<hbm>>
      tpu.wait_dma2 semaphore(%run_scoped3A : memref<!tpu.dma_semaphore, #tpu.memory_space<semaphore_mem>>) src(%dma_wait3A_119 : memref<2112xf32, #tpu.memory_space<hbm>>) dst(%dma_wait3A_118 : memref<2112xf32, #tpu.memory_space<vmem>>)
      tpu.yield
    }) : () -> ()
    "tpu.region"() ({
      %run_scoped3A = tpu.sem_alloc : memref<!tpu.dma_semaphore, #tpu.memory_space<semaphore_mem>>
      %dma_start3A_109 = arith.constant 0 : i32
      %dma_start3A_110 = tpu.memref_slice %arg8[%dma_start3A_109] : memref<7680xf32, #tpu.memory_space<vmem>> -> memref<2112xf32, #tpu.memory_space<vmem>>
      %dma_start3A_111 = tpu.memref_slice %arg3[%add3A_97] : memref<4000000xf32, #tpu.memory_space<hbm>> -> memref<2112xf32, #tpu.memory_space<hbm>>
      %dma_start3A_112 = arith.constant 0 : i32
      %dma_start3A_113 = tpu.memref_slice %arg8[%dma_start3A_112] : memref<7680xf32, #tpu.memory_space<vmem>> -> memref<2112xf32, #tpu.memory_space<vmem>>
      %dma_start3A_114 = tpu.memref_slice %arg3[%add3A_97] : memref<4000000xf32, #tpu.memory_space<hbm>> -> memref<2112xf32, #tpu.memory_space<hbm>>
      tpu.enqueue_dma source(%dma_start3A_114 : memref<2112xf32, #tpu.memory_space<hbm>>) target(%dma_start3A_113 : memref<2112xf32, #tpu.memory_space<vmem>>) target_semaphore(%run_scoped3A : memref<!tpu.dma_semaphore, #tpu.memory_space<semaphore_mem>>)
      %dma_wait3A = arith.constant 0 : i32
      %dma_wait3A_115 = tpu.memref_slice %arg8[%dma_wait3A] : memref<7680xf32, #tpu.memory_space<vmem>> -> memref<2112xf32, #tpu.memory_space<vmem>>
      %dma_wait3A_116 = tpu.memref_slice %arg3[%add3A_97] : memref<4000000xf32, #tpu.memory_space<hbm>> -> memref<2112xf32, #tpu.memory_space<hbm>>
      %dma_wait3A_117 = arith.constant 0 : i32
      %dma_wait3A_118 = tpu.memref_slice %arg8[%dma_wait3A_117] : memref<7680xf32, #tpu.memory_space<vmem>> -> memref<2112xf32, #tpu.memory_space<vmem>>
      %dma_wait3A_119 = tpu.memref_slice %arg3[%add3A_97] : memref<4000000xf32, #tpu.memory_space<hbm>> -> memref<2112xf32, #tpu.memory_space<hbm>>
      tpu.wait_dma2 semaphore(%run_scoped3A : memref<!tpu.dma_semaphore, #tpu.memory_space<semaphore_mem>>) src(%dma_wait3A_119 : memref<2112xf32, #tpu.memory_space<hbm>>) dst(%dma_wait3A_118 : memref<2112xf32, #tpu.memory_space<vmem>>)
      tpu.yield
    }) : () -> ()
    "tpu.region"() ({
      %run_scoped3A = tpu.sem_alloc : memref<!tpu.dma_semaphore, #tpu.memory_space<semaphore_mem>>
      %dma_start3A_109 = arith.constant 0 : i32
      %dma_start3A_110 = tpu.memref_slice %arg9[%dma_start3A_109] : memref<7680xf32, #tpu.memory_space<vmem>> -> memref<2112xf32, #tpu.memory_space<vmem>>
      %dma_start3A_111 = tpu.memref_slice %arg4[%add3A_97] : memref<4000000xf32, #tpu.memory_space<hbm>> -> memref<2112xf32, #tpu.memory_space<hbm>>
      %dma_start3A_112 = arith.constant 0 : i32
      %dma_start3A_113 = tpu.memref_slice %arg9[%dma_start3A_112] : memref<7680xf32, #tpu.memory_space<vmem>> -> memref<2112xf32, #tpu.memory_space<vmem>>
      %dma_start3A_114 = tpu.memref_slice %arg4[%add3A_97] : memref<4000000xf32, #tpu.memory_space<hbm>> -> memref<2112xf32, #tpu.memory_space<hbm>>
      tpu.enqueue_dma source(%dma_start3A_114 : memref<2112xf32, #tpu.memory_space<hbm>>) target(%dma_start3A_113 : memref<2112xf32, #tpu.memory_space<vmem>>) target_semaphore(%run_scoped3A : memref<!tpu.dma_semaphore, #tpu.memory_space<semaphore_mem>>)
      %dma_wait3A = arith.constant 0 : i32
      %dma_wait3A_115 = tpu.memref_slice %arg9[%dma_wait3A] : memref<7680xf32, #tpu.memory_space<vmem>> -> memref<2112xf32, #tpu.memory_space<vmem>>
      %dma_wait3A_116 = tpu.memref_slice %arg4[%add3A_97] : memref<4000000xf32, #tpu.memory_space<hbm>> -> memref<2112xf32, #tpu.memory_space<hbm>>
      %dma_wait3A_117 = arith.constant 0 : i32
      %dma_wait3A_118 = tpu.memref_slice %arg9[%dma_wait3A_117] : memref<7680xf32, #tpu.memory_space<vmem>> -> memref<2112xf32, #tpu.memory_space<vmem>>
      %dma_wait3A_119 = tpu.memref_slice %arg4[%add3A_97] : memref<4000000xf32, #tpu.memory_space<hbm>> -> memref<2112xf32, #tpu.memory_space<hbm>>
      tpu.wait_dma2 semaphore(%run_scoped3A : memref<!tpu.dma_semaphore, #tpu.memory_space<semaphore_mem>>) src(%dma_wait3A_119 : memref<2112xf32, #tpu.memory_space<hbm>>) dst(%dma_wait3A_118 : memref<2112xf32, #tpu.memory_space<vmem>>)
      tpu.yield
    }) : () -> ()
    %parallel_loop3A = arith.constant 0 : i32
    %parallel_loop3A_98 = arith.constant 2112 : i32
    %parallel_loop3A_99 = arith.constant 16 : i32
    scf.for %parallel_loop3A_109 = %parallel_loop3A to %parallel_loop3A_98 step %parallel_loop3A_99  : i32 {
      %parallel_loop3A_110 = arith.constant 0 : i32
      %parallel_loop3A_111 = arith.addi %parallel_loop3A_110, %parallel_loop3A_109 : i32
      %parallel_loop3A_112 = arith.index_cast %parallel_loop3A_111 : i32 to index
      %parallel_loop3A_113 = tpu.vector_load %arg7[%parallel_loop3A_112] {strides = array<i32>} : memref<7680xf32, #tpu.memory_space<vmem>>, vector<16xf32>,
      %parallel_loop3A_114 = arith.constant 0 : i32
      %parallel_loop3A_115 = arith.addi %parallel_loop3A_114, %parallel_loop3A_109 : i32
      %parallel_loop3A_116 = arith.index_cast %parallel_loop3A_115 : i32 to index
      %parallel_loop3A_117 = tpu.vector_load %arg8[%parallel_loop3A_116] {strides = array<i32>} : memref<7680xf32, #tpu.memory_space<vmem>>, vector<16xf32>,
      %parallel_loop3A_118 = arith.constant 0 : i32
      %parallel_loop3A_119 = arith.addi %parallel_loop3A_118, %parallel_loop3A_109 : i32
      %parallel_loop3A_120 = arith.index_cast %parallel_loop3A_119 : i32 to index
      %parallel_loop3A_121 = tpu.vector_load %arg9[%parallel_loop3A_120] {strides = array<i32>} : memref<7680xf32, #tpu.memory_space<vmem>>, vector<16xf32>,
      %parallel_loop3A_122 = arith.subf %parallel_loop3A_113, %parallel_loop3A_117 : vector<16xf32>
      %parallel_loop3A_123 = arith.constant 1.000000e+05 : f32
      %parallel_loop3A_124 = vector.broadcast %parallel_loop3A_123 : f32 to vector<16xf32>
      %parallel_loop3A_125 = arith.mulf %parallel_loop3A_121, %parallel_loop3A_124 : vector<16xf32>
      %parallel_loop3A_126 = arith.fptosi %parallel_loop3A_125 : vector<16xf32> to vector<16xi32>
      %parallel_loop3A_127 = arith.constant 0 : i32
      %parallel_loop3A_128 = vector.broadcast %parallel_loop3A_127 : i32 to vector<16xi32>
      %parallel_loop3A_129 = arith.maxsi %parallel_loop3A_126, %parallel_loop3A_128 : vector<16xi32>
      %parallel_loop3A_130 = arith.constant 99999 : i32
      %parallel_loop3A_131 = vector.broadcast %parallel_loop3A_130 : i32 to vector<16xi32>
      %parallel_loop3A_132 = arith.minsi %parallel_loop3A_129, %parallel_loop3A_131 : vector<16xi32>
      %parallel_loop3A_133 = arith.constant 7 : i32
      %parallel_loop3A_134 = vector.broadcast %parallel_loop3A_133 : i32 to vector<16xi32>
      %parallel_loop3A_135 = arith.shrui %parallel_loop3A_132, %parallel_loop3A_134 : vector<16xi32>
      %parallel_loop3A_136 = arith.constant 127 : i32
      %parallel_loop3A_137 = vector.broadcast %parallel_loop3A_136 : i32 to vector<16xi32>
      %parallel_loop3A_138 = arith.andi %parallel_loop3A_132, %parallel_loop3A_137 : vector<16xi32>
      tpu.vector_store_idx %arg6[%parallel_loop3A_135, %parallel_loop3A_138], %parallel_loop3A_122 {add = true} : memref<784x128xf32, #tpu.memory_space<vmem>>[vector<16xi32>, vector<16xi32>], vector<16xf32>,
    } {sc.loop_unroll_factor = 4 : i64, sc.parallel_access}
    %convert_element_type3A_100 = arith.extui %lt3A_1 : i1 to i32
    %cond3A_101 = arith.constant 0 : i32
    %cond3A_102 = arith.cmpi ne, %convert_element_type3A_100, %cond3A_101 : i32
    scf.if %cond3A_102 {
      %add3A_109 = arith.constant 122880 : i32
      %add3A_110 = arith.addi %select_n3A, %add3A_109 : i32
      %add3A_111 = arith.constant 2112 : i32
      %add3A_112 = arith.addi %add3A_110, %add3A_111 : i32
      "tpu.region"() ({
        %run_scoped3A = tpu.sem_alloc : memref<!tpu.dma_semaphore, #tpu.memory_space<semaphore_mem>>
        %dma_start3A_131 = arith.constant 0 : i32
        %dma_start3A_132 = tpu.memref_slice %arg7[%dma_start3A_131] : memref<7680xf32, #tpu.memory_space<vmem>> -> memref<16xf32, #tpu.memory_space<vmem>>
        %dma_start3A_133 = tpu.memref_slice %arg2[%add3A_112] : memref<4000000xf32, #tpu.memory_space<hbm>> -> memref<16xf32, #tpu.memory_space<hbm>>
        %dma_start3A_134 = arith.constant 0 : i32
        %dma_start3A_135 = tpu.memref_slice %arg7[%dma_start3A_134] : memref<7680xf32, #tpu.memory_space<vmem>> -> memref<16xf32, #tpu.memory_space<vmem>>
        %dma_start3A_136 = tpu.memref_slice %arg2[%add3A_112] : memref<4000000xf32, #tpu.memory_space<hbm>> -> memref<16xf32, #tpu.memory_space<hbm>>
        tpu.enqueue_dma source(%dma_start3A_136 : memref<16xf32, #tpu.memory_space<hbm>>) target(%dma_start3A_135 : memref<16xf32, #tpu.memory_space<vmem>>) target_semaphore(%run_scoped3A : memref<!tpu.dma_semaphore, #tpu.memory_space<semaphore_mem>>)
        %dma_wait3A = arith.constant 0 : i32
        %dma_wait3A_137 = tpu.memref_slice %arg7[%dma_wait3A] : memref<7680xf32, #tpu.memory_space<vmem>> -> memref<16xf32, #tpu.memory_space<vmem>>
        %dma_wait3A_138 = tpu.memref_slice %arg2[%add3A_112] : memref<4000000xf32, #tpu.memory_space<hbm>> -> memref<16xf32, #tpu.memory_space<hbm>>
        %dma_wait3A_139 = arith.constant 0 : i32
        %dma_wait3A_140 = tpu.memref_slice %arg7[%dma_wait3A_139] : memref<7680xf32, #tpu.memory_space<vmem>> -> memref<16xf32, #tpu.memory_space<vmem>>
        %dma_wait3A_141 = tpu.memref_slice %arg2[%add3A_112] : memref<4000000xf32, #tpu.memory_space<hbm>> -> memref<16xf32, #tpu.memory_space<hbm>>
        tpu.wait_dma2 semaphore(%run_scoped3A : memref<!tpu.dma_semaphore, #tpu.memory_space<semaphore_mem>>) src(%dma_wait3A_141 : memref<16xf32, #tpu.memory_space<hbm>>) dst(%dma_wait3A_140 : memref<16xf32, #tpu.memory_space<vmem>>)
        tpu.yield
      }) : () -> ()
      "tpu.region"() ({
        %run_scoped3A = tpu.sem_alloc : memref<!tpu.dma_semaphore, #tpu.memory_space<semaphore_mem>>
        %dma_start3A_131 = arith.constant 0 : i32
        %dma_start3A_132 = tpu.memref_slice %arg8[%dma_start3A_131] : memref<7680xf32, #tpu.memory_space<vmem>> -> memref<16xf32, #tpu.memory_space<vmem>>
        %dma_start3A_133 = tpu.memref_slice %arg3[%add3A_112] : memref<4000000xf32, #tpu.memory_space<hbm>> -> memref<16xf32, #tpu.memory_space<hbm>>
        %dma_start3A_134 = arith.constant 0 : i32
        %dma_start3A_135 = tpu.memref_slice %arg8[%dma_start3A_134] : memref<7680xf32, #tpu.memory_space<vmem>> -> memref<16xf32, #tpu.memory_space<vmem>>
        %dma_start3A_136 = tpu.memref_slice %arg3[%add3A_112] : memref<4000000xf32, #tpu.memory_space<hbm>> -> memref<16xf32, #tpu.memory_space<hbm>>
        tpu.enqueue_dma source(%dma_start3A_136 : memref<16xf32, #tpu.memory_space<hbm>>) target(%dma_start3A_135 : memref<16xf32, #tpu.memory_space<vmem>>) target_semaphore(%run_scoped3A : memref<!tpu.dma_semaphore, #tpu.memory_space<semaphore_mem>>)
        %dma_wait3A = arith.constant 0 : i32
        %dma_wait3A_137 = tpu.memref_slice %arg8[%dma_wait3A] : memref<7680xf32, #tpu.memory_space<vmem>> -> memref<16xf32, #tpu.memory_space<vmem>>
        %dma_wait3A_138 = tpu.memref_slice %arg3[%add3A_112] : memref<4000000xf32, #tpu.memory_space<hbm>> -> memref<16xf32, #tpu.memory_space<hbm>>
        %dma_wait3A_139 = arith.constant 0 : i32
        %dma_wait3A_140 = tpu.memref_slice %arg8[%dma_wait3A_139] : memref<7680xf32, #tpu.memory_space<vmem>> -> memref<16xf32, #tpu.memory_space<vmem>>
        %dma_wait3A_141 = tpu.memref_slice %arg3[%add3A_112] : memref<4000000xf32, #tpu.memory_space<hbm>> -> memref<16xf32, #tpu.memory_space<hbm>>
        tpu.wait_dma2 semaphore(%run_scoped3A : memref<!tpu.dma_semaphore, #tpu.memory_space<semaphore_mem>>) src(%dma_wait3A_141 : memref<16xf32, #tpu.memory_space<hbm>>) dst(%dma_wait3A_140 : memref<16xf32, #tpu.memory_space<vmem>>)
        tpu.yield
      }) : () -> ()
      "tpu.region"() ({
        %run_scoped3A = tpu.sem_alloc : memref<!tpu.dma_semaphore, #tpu.memory_space<semaphore_mem>>
        %dma_start3A_131 = arith.constant 0 : i32
        %dma_start3A_132 = tpu.memref_slice %arg9[%dma_start3A_131] : memref<7680xf32, #tpu.memory_space<vmem>> -> memref<16xf32, #tpu.memory_space<vmem>>
        %dma_start3A_133 = tpu.memref_slice %arg4[%add3A_112] : memref<4000000xf32, #tpu.memory_space<hbm>> -> memref<16xf32, #tpu.memory_space<hbm>>
        %dma_start3A_134 = arith.constant 0 : i32
        %dma_start3A_135 = tpu.memref_slice %arg9[%dma_start3A_134] : memref<7680xf32, #tpu.memory_space<vmem>> -> memref<16xf32, #tpu.memory_space<vmem>>
        %dma_start3A_136 = tpu.memref_slice %arg4[%add3A_112] : memref<4000000xf32, #tpu.memory_space<hbm>> -> memref<16xf32, #tpu.memory_space<hbm>>
        tpu.enqueue_dma source(%dma_start3A_136 : memref<16xf32, #tpu.memory_space<hbm>>) target(%dma_start3A_135 : memref<16xf32, #tpu.memory_space<vmem>>) target_semaphore(%run_scoped3A : memref<!tpu.dma_semaphore, #tpu.memory_space<semaphore_mem>>)
        %dma_wait3A = arith.constant 0 : i32
        %dma_wait3A_137 = tpu.memref_slice %arg9[%dma_wait3A] : memref<7680xf32, #tpu.memory_space<vmem>> -> memref<16xf32, #tpu.memory_space<vmem>>
        %dma_wait3A_138 = tpu.memref_slice %arg4[%add3A_112] : memref<4000000xf32, #tpu.memory_space<hbm>> -> memref<16xf32, #tpu.memory_space<hbm>>
        %dma_wait3A_139 = arith.constant 0 : i32
        %dma_wait3A_140 = tpu.memref_slice %arg9[%dma_wait3A_139] : memref<7680xf32, #tpu.memory_space<vmem>> -> memref<16xf32, #tpu.memory_space<vmem>>
        %dma_wait3A_141 = tpu.memref_slice %arg4[%add3A_112] : memref<4000000xf32, #tpu.memory_space<hbm>> -> memref<16xf32, #tpu.memory_space<hbm>>
        tpu.wait_dma2 semaphore(%run_scoped3A : memref<!tpu.dma_semaphore, #tpu.memory_space<semaphore_mem>>) src(%dma_wait3A_141 : memref<16xf32, #tpu.memory_space<hbm>>) dst(%dma_wait3A_140 : memref<16xf32, #tpu.memory_space<vmem>>)
        tpu.yield
      }) : () -> ()
      %get3A = arith.constant 0 : index
      %get3A_113 = tpu.vector_load %arg7[%get3A] {strides = array<i32>} : memref<7680xf32, #tpu.memory_space<vmem>>, vector<16xf32>,
      %get3A_114 = arith.constant 0 : index
      %get3A_115 = tpu.vector_load %arg8[%get3A_114] {strides = array<i32>} : memref<7680xf32, #tpu.memory_space<vmem>>, vector<16xf32>,
      %get3A_116 = arith.constant 0 : index
      %get3A_117 = tpu.vector_load %arg9[%get3A_116] {strides = array<i32>} : memref<7680xf32, #tpu.memory_space<vmem>>, vector<16xf32>,
      %sub3A_118 = arith.subf %get3A_113, %get3A_115 : vector<16xf32>
      %mul3A_119 = arith.constant 1.000000e+05 : f32
      %mul3A_120 = vector.broadcast %mul3A_119 : f32 to vector<16xf32>
      %mul3A_121 = arith.mulf %get3A_117, %mul3A_120 : vector<16xf32>
      %convert_element_type3A_122 = arith.fptosi %mul3A_121 : vector<16xf32> to vector<16xi32>
      %max3A = arith.constant 0 : i32
      %max3A_123 = vector.broadcast %max3A : i32 to vector<16xi32>
      %max3A_124 = arith.maxsi %convert_element_type3A_122, %max3A_123 : vector<16xi32>
      %min3A = arith.constant 99999 : i32
      %min3A_125 = vector.broadcast %min3A : i32 to vector<16xi32>
      %min3A_126 = arith.minsi %max3A_124, %min3A_125 : vector<16xi32>
      %shift_right_logical3A = arith.constant 7 : i32
      %shift_right_logical3A_127 = vector.broadcast %shift_right_logical3A : i32 to vector<16xi32>
      %shift_right_logical3A_128 = arith.shrui %min3A_126, %shift_right_logical3A_127 : vector<16xi32>
      %and3A = arith.constant 127 : i32
      %and3A_129 = vector.broadcast %and3A : i32 to vector<16xi32>
      %and3A_130 = arith.andi %min3A_126, %and3A_129 : vector<16xi32>
      tpu.vector_store_idx %arg6[%shift_right_logical3A_128, %and3A_130], %sub3A_118 {add = true} : memref<784x128xf32, #tpu.memory_space<vmem>>[vector<16xi32>, vector<16xi32>], vector<16xf32>,
    } else {
    }
    "tpu.region"() ({
      %run_scoped3A = tpu.sem_alloc : memref<!tpu.dma_semaphore, #tpu.memory_space<semaphore_mem>>
      %dma_start3A_109 = arith.constant 0 : i32
      %dma_start3A_110 = arith.constant 0 : i32
      %dma_start3A_111 = tpu.memref_slice %arg10[%dma_start3A_109, %dma_start3A_110] : memref<784x128xf32, #tpu.memory_space<vmem_shared>> -> memref<784x128xf32, #tpu.memory_space<vmem_shared>>
      tpu.enqueue_indirect_dma source(%arg6 : memref<784x128xf32, #tpu.memory_space<vmem>>) target(%dma_start3A_111 : memref<784x128xf32, #tpu.memory_space<vmem_shared>>) offsets(%arg11 : memref<784xi32, #tpu.memory_space<vmem>>) semaphore(%run_scoped3A : memref<!tpu.dma_semaphore, #tpu.memory_space<semaphore_mem>>) {add = true}
      %dma_wait3A = arith.constant 0 : i32
      %dma_wait3A_112 = arith.constant 0 : i32
      %dma_wait3A_113 = tpu.memref_slice %arg10[%dma_wait3A, %dma_wait3A_112] : memref<784x128xf32, #tpu.memory_space<vmem_shared>> -> memref<784x128xf32, #tpu.memory_space<vmem_shared>>
      tpu.wait_indirect_dma semaphore(%run_scoped3A : memref<!tpu.dma_semaphore, #tpu.memory_space<semaphore_mem>>) src(%arg6 : memref<784x128xf32, #tpu.memory_space<vmem>>) dst(%dma_wait3A_113 : memref<784x128xf32, #tpu.memory_space<vmem_shared>>)
      tpu.yield
    }) : () -> ()
    %barrier3A_103 = arith.constant 0 : index
    tpu.barrier barrier_id(%barrier3A_103)
    "tpu.region"() ({
      %run_scoped3A = tpu.sem_alloc : memref<!tpu.dma_semaphore, #tpu.memory_space<semaphore_mem>>
      %dma_start3A_109 = arith.constant 0 : i32
      %dma_start3A_110 = tpu.memref_slice %arg5[%arg0, %multiple_of3A, %dma_start3A_109] : memref<2x784x128xf32, #tpu.memory_space<hbm>> -> memref<1x48x128xf32, #tpu.memory_space<hbm>>
      %dma_start3A_111 = tpu.memref_squeeze %dma_start3A_110 : memref<1x48x128xf32, #tpu.memory_space<hbm>> -> memref<48x128xf32, #tpu.memory_space<hbm>>
      %dma_start3A_112 = arith.constant 0 : i32
      %dma_start3A_113 = tpu.memref_slice %arg10[%multiple_of3A, %dma_start3A_112] : memref<784x128xf32, #tpu.memory_space<vmem_shared>> -> memref<48x128xf32, #tpu.memory_space<vmem_shared>>
      tpu.enqueue_dma source(%dma_start3A_113 : memref<48x128xf32, #tpu.memory_space<vmem_shared>>) target(%dma_start3A_111 : memref<48x128xf32, #tpu.memory_space<hbm>>) target_semaphore(%run_scoped3A : memref<!tpu.dma_semaphore, #tpu.memory_space<semaphore_mem>>)
      %dma_wait3A = arith.constant 0 : i32
      %dma_wait3A_114 = tpu.memref_slice %arg5[%arg0, %multiple_of3A, %dma_wait3A] : memref<2x784x128xf32, #tpu.memory_space<hbm>> -> memref<1x48x128xf32, #tpu.memory_space<hbm>>
      %dma_wait3A_115 = tpu.memref_squeeze %dma_wait3A_114 : memref<1x48x128xf32, #tpu.memory_space<hbm>> -> memref<48x128xf32, #tpu.memory_space<hbm>>
      %dma_wait3A_116 = arith.constant 0 : i32
      %dma_wait3A_117 = tpu.memref_slice %arg10[%multiple_of3A, %dma_wait3A_116] : memref<784x128xf32, #tpu.memory_space<vmem_shared>> -> memref<48x128xf32, #tpu.memory_space<vmem_shared>>
      tpu.wait_dma2 semaphore(%run_scoped3A : memref<!tpu.dma_semaphore, #tpu.memory_space<semaphore_mem>>) src(%dma_wait3A_117 : memref<48x128xf32, #tpu.memory_space<vmem_shared>>) dst(%dma_wait3A_115 : memref<48x128xf32, #tpu.memory_space<hbm>>)
      tpu.yield
    }) : () -> ()
    %ge3A_104 = arith.constant 14 : i32
    %ge3A_105 = arith.cmpi sge, %arg1, %ge3A_104 : i32
    %convert_element_type3A_106 = arith.extui %ge3A_105 : i1 to i32
    %cond3A_107 = arith.constant 0 : i32
    %cond3A_108 = arith.cmpi ne, %convert_element_type3A_106, %cond3A_107 : i32
    scf.if %cond3A_108 {
      %add3A_109 = arith.constant 48 : i32
      %add3A_110 = arith.addi %multiple_of3A, %add3A_109 : i32
      %add3A_111 = arith.constant 48 : i32
      %add3A_112 = arith.addi %multiple_of3A, %add3A_111 : i32
      "tpu.region"() ({
        %run_scoped3A = tpu.sem_alloc : memref<!tpu.dma_semaphore, #tpu.memory_space<semaphore_mem>>
        %dma_start3A_113 = arith.constant 0 : i32
        %dma_start3A_114 = tpu.memref_slice %arg5[%arg0, %add3A_112, %dma_start3A_113] : memref<2x784x128xf32, #tpu.memory_space<hbm>> -> memref<1x8x128xf32, #tpu.memory_space<hbm>>
        %dma_start3A_115 = tpu.memref_squeeze %dma_start3A_114 : memref<1x8x128xf32, #tpu.memory_space<hbm>> -> memref<8x128xf32, #tpu.memory_space<hbm>>
        %dma_start3A_116 = arith.constant 0 : i32
        %dma_start3A_117 = tpu.memref_slice %arg10[%add3A_110, %dma_start3A_116] : memref<784x128xf32, #tpu.memory_space<vmem_shared>> -> memref<8x128xf32, #tpu.memory_space<vmem_shared>>
        tpu.enqueue_dma source(%dma_start3A_117 : memref<8x128xf32, #tpu.memory_space<vmem_shared>>) target(%dma_start3A_115 : memref<8x128xf32, #tpu.memory_space<hbm>>) target_semaphore(%run_scoped3A : memref<!tpu.dma_semaphore, #tpu.memory_space<semaphore_mem>>)
        %dma_wait3A = arith.constant 0 : i32
        %dma_wait3A_118 = tpu.memref_slice %arg5[%arg0, %add3A_112, %dma_wait3A] : memref<2x784x128xf32, #tpu.memory_space<hbm>> -> memref<1x8x128xf32, #tpu.memory_space<hbm>>
        %dma_wait3A_119 = tpu.memref_squeeze %dma_wait3A_118 : memref<1x8x128xf32, #tpu.memory_space<hbm>> -> memref<8x128xf32, #tpu.memory_space<hbm>>
        %dma_wait3A_120 = arith.constant 0 : i32
        %dma_wait3A_121 = tpu.memref_slice %arg10[%add3A_110, %dma_wait3A_120] : memref<784x128xf32, #tpu.memory_space<vmem_shared>> -> memref<8x128xf32, #tpu.memory_space<vmem_shared>>
        tpu.wait_dma2 semaphore(%run_scoped3A : memref<!tpu.dma_semaphore, #tpu.memory_space<semaphore_mem>>) src(%dma_wait3A_121 : memref<8x128xf32, #tpu.memory_space<vmem_shared>>) dst(%dma_wait3A_119 : memref<8x128xf32, #tpu.memory_space<hbm>>)
        tpu.yield
      }) : () -> ()
    } else {
    }
    return
  }
}

</mosaic_0001>

<sc_bundles>
// kernel: _sc_hist.3.cloned.1.call-start
scs
__scs_entry_jumppad:
0x0: {  	(pc) =	sbr.rel $0x88, $3  }
0x1: {  	(tag) =	ssettag $0x0;
	lr =	simm.s32 $0x1  }
0x2: {  	[smem:$0x3F9E] =	sst lr;
	_ =	strace $0xD0000000  }
0x3: {  	_ = 	snop  }
0x4: {  	_ = 	snop  }
0x5: {  	_ = 	snop  }
0x6: {  	_ = 	snop  }
0x7: {  	_ = 	snop  }
__scs_overlays_trampoline_lowered:
0x8: {  	[smem:$0x3FAD] =	sst s0  }
0x9: {  	[smem:$0x3FAE] =	sst s1  }
0xa: {  	[smem:$0x3FAF] =	sst s2  }
0xb: {  	[smem:$0x3FB0] =	sst s3  }
0xc: {  	[smem:$0x3FB1] =	sst s4  }
0xd: {  	[smem:$0x3FB2] =	sst s5  }
0xe: {  	[smem:$0x3FB3] =	sst s6  }
0xf: {  	[smem:$0x3FB4] =	sst s7  }
0x10: {  	[smem:$0x3FB5] =	sst s8  }
0x11: {  	[smem:$0x3FB6] =	sst s9;
	s0 =	simm.s32 @!p0 $0x0  }
0x12: {  	s1 =	sld [smem:$0x3F9C];
	s0 =	simm.s32 @p0 $0x1  }
0x13: {  	[smem:$0x3FB7] =	sst s0;
	s0 =	simm.s32 @!p1 $0x0  }
0x14: {  	s2 =	sld [smem:$0x3F9B];
	s0 =	simm.s32 @p1 $0x1  }
0x15: {  	[smem:$0x3FB8] =	sst s0;
	s0 =	simm.s32 @!p2 $0x0  }
0x16: {  	s3 =	sld [smem:$0x3FDB];
	s0 =	simm.s32 @p2 $0x1  }
0x17: {  	s4 =	simm.s32 $0x1BF5;
	[smem:$0x3FBA] =	sst s0  }
0x18: {  	s0 =	sld [smem:$0x3F9D];
	_ =	swait.ge [sflag:s4], $0x0  }
0x19: {  	s7 =	sld [smem:$0x3F9E]  }
0x1a: {  	s8 =	sadd.s32 $0xFFFFE003, lr  }
0x1b: {  	s9 =	sadd.s32 $0xFFFFFEF7, lr;
	s5 =	simm.s32 $0xFFFFFFFF;
	p2 =	slt.u32 s8, $0xFFFFF086  }
0x1c: {  	p1 =	slt.u32 s9, $0xF7A;
	s5 =	simm.s32 @!p2 $0x0  }
0x1d: {  	s5 =	simm.s32 @p1 $0x1;
	p0 =	seq.s32 s7, s2  }
0x1e: {  	s7 =	smul.u32 @!p0 $0xF7A, s2;
	p2 =	seq.s32 @!p0 s5, $0x0  }
0x1f: {  	s9 =	smul.u32 $0xF7A, s1;
	s8 =	simm.s32 @!p0 $0x1BF5;
	p2 =	por !p2, p0  }
0x20: {  	[sflag:s8] =	ssyncset.s32 @!p0 $0xFFFFF086;
	s6 =	sadd.s32 @!p0 s3, s7;
	s7 =	simm.s32 @!p0 $0x108  }
0x21: {  	s3 =	sadd.s32 s3, s9;
	s6 =	sadd.s32 @!p0 $0x88, s6;
	s7 =	simm.s32 @p2 $0x1082  }
0x22: {  	[simem:s7], [sflag:s8] =	dma.local @!p0 [hbm:s6], $0xF7A  }
0x23: {  	s9 =	sor.u32 $0xD0000000, s2;
	s6 =	simm.s32 $0x108;
	_ =	swait.ge @!p0 [sflag:s8], $0x0  }
0x24: {  	s3 =	sadd.s32 $0x88, s3;
	s6 =	simm.s32 @!p1 $0x1082;
	[sflag:s4] =	ssyncset.s32 $0xFFFFF086  }
0x25: {  	[simem:s6], [sflag:s4] =	dma.local [hbm:s3], $0xF7A  }
0x26: {  	[smem:$0x3F9E] =	sst s1;
	(tag) =	ssettag s2;
	_ =	strace s9  }
0x27: {  	s1 =	sld [smem:$0x3FAE]  }
0x28: {  	s2 =	sld [smem:$0x3FAF]  }
0x29: {  	s4 =	sld [smem:$0x3FB1]  }
0x2a: {  	p0 =	seq.s32 s5, $0x0;
	s5 =	sld [smem:$0x3FB2]  }
0x2b: {  	s6 =	sld [smem:$0x3FB3]  }
0x2c: {  	s7 =	sld [smem:$0x3FB4]  }
0x2d: {  	s3 =	simm.s32 $0x108;
	s8 =	sld [smem:$0x3FB5]  }
0x2e: {  	s3 =	simm.s32 @!p0 $0x1082;
	s9 =	sld [smem:$0x3FB6]  }
0x2f: {  	lr =	sadd.s32 s0, s3;
	s0 =	sld [smem:$0x3FAD]  }
0x30: {  	s3 =	sld [smem:$0x3FB0]  }
0x31: {  	[smem:$0x3FB9] =	sst s10  }
0x32: {  	s10 =	sld [smem:$0x3FB7];
	_ =	sdelay $0x3  }
0x33: {  	p0 =	seq.s32 s10, $0x1;
	s10 =	sld [smem:$0x3FB9];
	_ =	sdelay $0x3  }
0x34: {  	[smem:$0x3FB9] =	sst s10  }
0x35: {  	s10 =	sld [smem:$0x3FB8];
	_ =	sdelay $0x3  }
0x36: {  	p1 =	seq.s32 s10, $0x1;
	s10 =	sld [smem:$0x3FB9];
	_ =	sdelay $0x3  }
0x37: {  	[smem:$0x3FB9] =	sst s10  }
0x38: {  	s10 =	sld [smem:$0x3FBA]  }
0x39: {  	_ = 	snop;
	(pc) =	sbr.ind lr, $3  }
0x3a: {  	_ = 	snop  }
0x3b: {  	_ = 	snop  }
0x3c: {  	p2 =	seq.s32 s10, $0x1;
	s10 =	sld [smem:$0x3FB9]  }
0x3d: {  	_ =	shalt  }
0x3e: {  	_ =	shalt  }
0x3f: {  	_ =	shalt  }
0x40: {  	_ =	shalt  }
0x41: {  	_ =	shalt  }
0x42: {  	_ =	shalt  }
0x43: {  	_ =	shalt  }
0x44: {  	_ =	shalt  }
0x45: {  	_ =	shalt  }
0x46: {  	_ =	shalt  }
0x47: {  	_ =	shalt  }
0x48: {  	_ =	shalt  }
0x49: {  	_ =	shalt  }
0x4a: {  	_ =	shalt  }
0x4b: {  	_ =	shalt  }
0x4c: {  	_ =	shalt  }
0x4d: {  	_ =	shalt  }
0x4e: {  	_ =	shalt  }
0x4f: {  	_ =	shalt  }
0x50: {  	_ =	shalt  }
0x51: {  	_ =	shalt  }
0x52: {  	_ =	shalt  }
0x53: {  	_ =	shalt  }
0x54: {  	_ =	shalt  }
0x55: {  	_ =	shalt  }
0x56: {  	_ =	shalt  }
0x57: {  	_ =	shalt  }
0x58: {  	_ =	shalt  }
0x59: {  	_ =	shalt  }
0x5a: {  	_ =	shalt  }
0x5b: {  	_ =	shalt  }
0x5c: {  	_ =	shalt  }
0x5d: {  	_ =	shalt  }
0x5e: {  	_ =	shalt  }
0x5f: {  	_ =	shalt  }
0x60: {  	_ =	shalt  }
0x61: {  	_ =	shalt  }
0x62: {  	_ =	shalt  }
0x63: {  	_ =	shalt  }
0x64: {  	_ =	shalt  }
0x65: {  	_ =	shalt  }
0x66: {  	_ =	shalt  }
0x67: {  	_ =	shalt  }
0x68: {  	_ =	shalt  }
0x69: {  	_ =	shalt  }
0x6a: {  	_ =	shalt  }
0x6b: {  	_ =	shalt  }
0x6c: {  	_ =	shalt  }
0x6d: {  	_ =	shalt  }
0x6e: {  	_ =	shalt  }
0x6f: {  	_ =	shalt  }
0x70: {  	_ =	shalt  }
0x71: {  	_ =	shalt  }
0x72: {  	_ =	shalt  }
0x73: {  	_ =	shalt  }
0x74: {  	_ =	shalt  }
0x75: {  	_ =	shalt  }
0x76: {  	_ =	shalt  }
0x77: {  	_ =	shalt  }
0x78: {  	_ =	shalt  }
0x79: {  	_ =	shalt  }
0x7a: {  	_ =	shalt  }
0x7b: {  	_ =	shalt  }
0x7c: {  	_ =	shalt  }
0x7d: {  	_ =	shalt  }
0x7e: {  	_ =	shalt  }
0x7f: {  	_ =	shalt  }
0x80: {  	_ =	shalt  }
0x81: {  	_ =	shalt  }
0x82: {  	_ =	shalt  }
0x83: {  	_ =	shalt  }
0x84: {  	_ =	shalt  }
0x85: {  	_ =	shalt  }
0x86: {  	_ =	shalt  }
0x87: {  	_ =	shalt  }
.Lfunc_end0:
.L_simem_size_0:
called_computation_lowered:
.L_overlay_start_0:
0x88: {  	s2 =	sld [smem:$0x3FD9]  }
0x89: {  	s3 =	sld [smem:$0x3FFE];
	_ =	sdelay $0x1  }
0x8a: {  	s1 =	srdreg.scid  }
0x8b: {  	s0 =	sand.u32 $0x1, s1  }
0x8c: {  	s18 =	sshll.u32 s0, $0xA;
	s2 =	sadd.s32 s3, s2  }
0x8d: {  	s2 =	sadd.s32 s2, s18  }
0x8e: {  	[smem:$0x3FC5] =	sst s2  }
0x8f: {  	_ = 	snop  }
0x90: {  	s2 =	sld [smem:$0x3FC9]  }
0x91: {  	s19 =	sld [smem:$0x3FC8]  }
0x92: {  	s4 =	sld [smem:$0x3FC7]  }
0x93: {  	s5 =	sld [smem:$0x3FD0];
	(tm) =	ssettm $0x1  }
0x94: {  	s6 =	sld [smem:$0x3FFB];
	_ =	sdelay $0x3  }
0x95: {  	_ =	strace s6  }
0x96: {  	s6 =	sld [smem:$0x3FFC];
	_ =	sdelay $0x3  }
0x97: {  	_ =	strace s6  }
0x98: {  	s6 =	sld [smem:$0x3FFD];
	_ =	sdelay $0x3  }
0x99: {  	_ =	strace s6  }
0x9a: {  	_ =	strace $0x8FFFFFFF  }
0x9b: {  	s20 =	sld [smem:$0x3FDB];
	_ =	sdelay $0x1  }
0x9c: {  	s7 =	simm.s32 $_scs_section_size  }
0x9d: {  	s8 =	simm.s32 $_size__tile_overlayer_lowered;
	s9 =	simm.s32 $_tile_overlayer_lowered  }
0x9e: {  	s23 =	simm.s32 $0x1BFF;
	s22 =	sshll.u32 s9, $0x1;
	s6 =	sadd.s32 s7, s20  }
0x9f: {  	s10 =	simm.s32 $0x0;
	s21 =	sshll.u32 s8, $0x1;
	s8 =	sadd.s32 s22, s6  }
0xa0: {  	[timem:s10], [sflag:s23] =	dma.local [hbm:s8], s21  }
0xa1: {  	_ =	swait.ge [sflag:s23], s21  }
0xa2: {  	s7 =	ssub.s32 $0x0, s21;
	[sflag:s23] =	ssyncset.done $0x0  }
0xa3: {  	[sflag:s23] =	ssyncadd.s32 s7;
	_ =	sdelay $0x1  }
0xa4: {  	s24 =	simm.s32 $0x1B8B  }
0xa5: {  	_ =	swait.ge [sflag:s24], $0x1  }
0xa6: {  	[sflag:s24] =	ssyncset.done $0x0  }
0xa7: {  	s25 =	simm.s32 $0x1B8E;
	[sflag:s24] =	ssyncadd.s32 $0xFFFFFFFF  }
0xa8: {  	s26 =	simm.s32 $execute0_lowered;
	[smem:$0x3FD2] =	sst s25  }
0xa9: {  	s7 =	sshll.u32 s26, $0x1;
	_ =	strace $0x80000046;
	[dreg:$0x1] =	wrdreg $0xFFFFFFFF  }
0xaa: {  	s28 =	simm.s32 $_size_execute0_lowered;
	s6 =	sadd.s32 s6, s7;
	[dreg:$0x0] =	wrdreg $0x0  }
0xab: {  	s7 =	sshll.u32 s28, $0x1;
	[dreg:$0x2] =	wrdreg s6  }
0xac: {  	[dreg:$0x3] =	wrdreg s7  }
0xad: {  	[dreg:$0x4] =	wrdreg $0xC0  }
0xae: {  	_ =	task [dreg:s10], $0x5FFFF  }
0xaf: {  	[dreg:$0x1] =	wrdreg $0xFFFFFFFF  }
0xb0: {  	[dreg:$0x0] =	wrdreg $0x60  }
0xb1: {  	[dreg:$0x2] =	wrdreg s2  }
0xb2: {  	[dreg:$0x3] =	wrdreg s19  }
0xb3: {  	[dreg:$0x4] =	wrdreg s4  }
0xb4: {  	[dreg:$0x5] =	wrdreg s5  }
0xb5: {  	[dreg:$0x6] =	wrdreg $0x1E2000  }
0xb6: {  	[dreg:$0x7] =	wrdreg $0x9  }
0xb7: {  	_ =	task.clear_ibuf [dreg:s10], $0x8FFFF;
	_ =	strace $0x90000046  }
0xb8: {  	s29 =	simm.s32 $0x9;
	_ =	strace $0x80000048  }
0xb9: {  	_ =	swait.ge [sflag:s29], $0x1  }
0xba: {  	[sflag:s29] =	ssyncadd.s32 $0xFFFFFFFF  }
0xbb: {  	_ =	strace $0x90000048  }
0xbc: {  	_ =	sfence  }
0xbd: {  	s30 =	sld [smem:$0x0];
	_ =	sdelay $0x2  }
0xbe: {  	s31 =	sshll.u32 s1, $0xD;
	s1 =	sshrl.u32 s1, $0x2  }
0xbf: {  	s3 =	sand.u32 $0x4000, s31;
	s1 =	sadd.s32 s1, s30  }
0xc0: {  	s0 =	sor.u32 s3, s0;
	s1 =	sshll.u32 s1, $0x11  }
0xc1: {  	s0 =	sor.u32 s1, s0  }
0xc2: {  	s0 =	sadd.s32 $0x8F2B, s0  }
0xc3: {  	[sflag:s0] =	ssyncadd.remote.s32 $0x1  }
0xc4: {  	_ =	sfence.sel $0xFFFF  }
0xc5: {  	[dreg:$0x0] =	wrdreg $0xFFFFFFFF;
	(pc) =	sbr.abs _section_cstart, $3  }
0xc6: {  	[dreg:$0x1] =	wrdreg $0xFFFFFFFF  }
0xc7: {  	_ =	task.clear_ibuf [dreg:s10], $0x2FFFF;
	_ =	strace $0x9FFFFFFF  }
0xc8: {  	(tm) =	ssettm $0x7FFFFFFF  }
0xc9: {  	_ =	shalt  }
tec
execute0_lowered:
.L_overlay_start_1:
0x0: {  	(tag) =	ssettag $0x1  }
0x1: {  	s1 =	rddreg [dreg:$0x0]  }
0x2: {  	s2 =	rddreg [dreg:$0x1]  }
0x3: {  	s0 =	srdreg.scid;
	s4 =	rddreg [dreg:$0x2]  }
0x4: {  	s14 =	stileid.u32;
	s5 =	rddreg [dreg:$0x3]  }
0x5: {  	s0 =	sand.u32 $0x1, s0;
	s3 =	sshll.u32 s14, $0x1;
	s23 =	smul.u32 $0x38, s14  }
0x6: {  	s15 =	rddreg [dreg:$0x4];
	s12 =	smul.u32 $0x30, s14;
	s3 =	sor.u32 s0, s3  }
0x7: {  	p0 =	slt.u32 s14, $0x8;
	s8 =	ssub.s32 $0x2, s0;
	s6 =	smul.u32 $0x1E840, s3  }
0x8: {  	p1 =	sgt.u32 s14, $0x7;
	s0 =	smul.u32 $0x18800, s0;
	s9 =	sshrl.u32 s8, $0x1  }
0x9: {  	s3 =	smul.u32 $0x1E850, s3;
	s8 =	ssub.s32 s8, s9;
	s7 =	sadd.s32 $0x100, s6  }
0xa: {  	s6 =	simm.s32 $0x0;
	s29 =	smax.u32 s8, $0x1;
	s8 =	simm.s32 $0x1BA00  }
0xb: {  	s7 =	smov.u32 @p0 s3;
	[smem:$0x7FF] =	sst s6;
	p0 =	slt.u32 s14, $0xE  }
0xc: {  	s3 =	sshrl.u32 s3, $0x3;
	s14 =	simm.s32 $0x0;
	s10 =	sshrl.u32 s7, $0x3  }
0xd: {  	_ =	strace $0x80000047;
	s17 =	sadd.s32 $0x1E00, s7;
	s18 =	sadd.s32 s1, s10  }
0xe: {  	s3 =	sadd.s32 $0x3D08, s3;
	s19 =	sadd.s32 s2, s10;
	[dreg:$0x6] =	wrdreg s18  }
0xf: {  	s20 =	sadd.s32 s4, s10;
	s21 =	sadd.s32 $0x140, s10;
	[dreg:$0x7] =	wrdreg s19  }
0x10: {  	s24 =	sadd.s32 $0x280, s10;
	s28 =	sadd.s32 s4, s3;
	[dreg:$0x8] =	wrdreg s20  }
0x11: {  	s11 =	sadd.s32 s1, s21;
	s22 =	sadd.s32 s2, s21;
	s9 =	sadd.s32 s4, s21  }
0x12: {  	s13 =	sadd.s32 s1, s24;
	s16 =	sadd.s32 s2, s24;
	[dreg:$0x9] =	wrdreg s11  }
0x13: {  	s20 =	sadd.s32 $0x2800, s7;
	s21 =	sadd.s32 $0x3200, s7;
	[dreg:$0xa] =	wrdreg s22  }
0x14: {  	s18 =	sadd.s32 $0x3C00, s10;
	s7 =	simm.s32 $0x19C00;
	[dreg:$0xb] =	wrdreg s9  }
0x15: {  	s10 =	simm.s32 $0x4;
	[dreg:$0xc] =	wrdreg s13;
	s13 =	sadd.s32 $0xFFFFFF90, s23  }
0x16: {  	[dreg:$0xd] =	wrdreg s16;
	s9 =	sadd.s32 s4, s24;
	s11 =	sadd.s32 $0xFFFFFFC0, s23  }
0x17: {  	s22 =	sadd.s32 s1, s18;
	s23 =	sadd.s32 s2, s18;
	s24 =	sadd.s32 s4, s18  }
0x18: {  	s18 =	simm.s32 $0x18800;
	[dreg:$0xe] =	wrdreg s9;
	s13 =	smov.u32 @p0 s12  }
0x19: {  	s26 =	sshll.u32 s11, $0x7;
	s19 =	sshll.u32 s11, $0x9;
	s11 =	simm.s32 $0x1  }
0x1a: {  	s25 =	sshll.u32 s13, $0x9;
	s12 =	sshll.u32 s13, $0x7;
	s13 =	simm.s32 $0x3  }
0x1b: {  	s9 =	sshra.s32 s25, $0x2;
	s12 =	sadd.s32 s0, s12;
	s0 =	sadd.s32 s0, s26  }
0x1c: {  	s25 =	sadd.s32 s1, s3;
	s26 =	sadd.s32 s2, s3;
	s0 =	sshrl.u32 s0, $0x3  }
0x1d: {  	s16 =	sadd.s32 s9, s15;
	s9 =	sshrl.u32 s12, $0x3;
	s0 =	sadd.s32 s5, s0  }
0x1e: {  	s12 =	simm.s32 $0x2;
	[dreg:$0x10] =	wrdreg s0;
	s0 =	sshra.s32 s19, $0x2  }
0x1f: {  	s9 =	sadd.s32 s5, s9;
	s31 =	sadd.s32 $0x1800, s16;
	s0 =	sadd.s32 s0, s15  }
0x20: {  	v0 =	vimm.f32 $0.0e+00;
	v1 =	vlaneseq.u32;
	[dreg:$0xf] =	wrdreg s9;
	s9 =	simm.s32 $0x1D800;
	s30 =	sshrl.u32 @!p0 s0, $0x3  }
.LBB2_1:
0x21: {  	s0 =	rddreg [dreg:$0x6]  }
0x22: {  	[tilespmem:s18], [sflag:$0x1] =	stream.linear.gather [hbm4b:s0+s6], $0xA00, $0x38;
	[tilespmem:$0x1FE00] =	vst v63  }
0x23: {  	s15 =	rddreg [dreg:$0x7];
	s3 =	simm.s32 $0x1A600  }
0x24: {  	[tilespmem:s3], [sflag:$0x1] =	stream.linear.gather [hbm4b:s15+s6], $0xA00, $0x38;
	[tilespmem:$0x1FE00] =	vst v63  }
0x25: {  	s19 =	simm.s32 $0x1C400;
	s18 =	rddreg [dreg:$0x8]  }
0x26: {  	[tilespmem:s19], [sflag:$0x1] =	stream.linear.gather [hbm4b:s18+s6], $0xA00, $0x38;
	[tilespmem:$0x1FE00] =	vst v63  }
0x27: {  	s5 =	rddreg [dreg:$0x9];
	s15 =	simm.s32 $0x19200  }
0x28: {  	[tilespmem:s15], [sflag:$0x2] =	stream.linear.gather [hbm4b:s5+s6], $0xA00, $0x38;
	[tilespmem:$0x1FE00] =	vst v63  }
0x29: {  	s18 =	rddreg [dreg:$0xa];
	s19 =	simm.s32 $0x1B000  }
0x2a: {  	[tilespmem:s19], [sflag:$0x2] =	stream.linear.gather [hbm4b:s18+s6], $0xA00, $0x38;
	[tilespmem:$0x1FE00] =	vst v63  }
0x2b: {  	s3 =	rddreg [dreg:$0xb];
	s5 =	simm.s32 $0x1CE00  }
0x2c: {  	[tilespmem:s5], [sflag:$0x2] =	stream.linear.gather [hbm4b:s3+s6], $0xA00, $0x38;
	[tilespmem:$0x1FE00] =	vst v63  }
0x2d: {  	s15 =	rddreg [dreg:$0xc]  }
0x2e: {  	[tilespmem:s7], [sflag:$0x3] =	stream.linear.gather [hbm4b:s15+s6], $0xA00, $0x38;
	[tilespmem:$0x1FE00] =	vst v63  }
0x2f: {  	s18 =	rddreg [dreg:$0xd]  }
0x30: {  	[tilespmem:s8], [sflag:$0x3] =	stream.linear.gather [hbm4b:s18+s6], $0xA00, $0x38;
	[tilespmem:$0x1FE00] =	vst v63  }
0x31: {  	s0 =	simm.s32 $0x0;
	s19 =	rddreg [dreg:$0xe];
	s3 =	simm.s32 $0x200  }
0x32: {  	[tilespmem:s9], [sflag:$0x3] =	stream.linear.gather [hbm4b:s19+s6], $0xA00, $0x38;
	[tilespmem:$0x1FE00] =	vst v63  }
.LBB2_2:
0x33: {  	p2 =	sne.s32 s3, $0x61E00;
	[tilespmem:s0+$0x70] =	vst v0  }
0x34: {  	[tilespmem:s0+$0x0] =	vst v0  }
0x35: {  	[tilespmem:s0+$0x10] =	vst v0  }
.Ltmp0:
0x36: {  	[tilespmem:s0+$0x20] =	vst v0;
	(pc) =	sbr.rel @p2 .LBB2_2-.Ltmp0, $4  }
0x37: {  	[tilespmem:s0+$0x30] =	vst v0  }
0x38: {  	[tilespmem:s0+$0x40] =	vst v0  }
0x39: {  	[tilespmem:s0+$0x50] =	vst v0  }
0x3a: {  	[tilespmem:s0+$0x60] =	vst v0;
	s0 =	sshra.s32 s3, $0x2;
	s3 =	sadd.s32 $0x200, s3  }
0x3b: {  	[tilespmem:s0+$0x70] =	vst v0  }
0x3c: {  	[tilespmem:s0+$0x0] =	vst v0  }
0x3d: {  	[tilespmem:s0+$0x10] =	vst v0  }
0x3e: {  	[tilespmem:s0+$0x20] =	vst v0  }
0x3f: {  	[tilespmem:s0+$0x30] =	vst v0  }
0x40: {  	[tilespmem:s0+$0x40] =	vst v0  }
0x41: {  	[tilespmem:s0+$0x50] =	vst v0;
	s3 =	simm.s32 $0x0  }
0x42: {  	[tilespmem:s0+$0x60] =	vst v0;
	s0 =	simm.s32 $0x1FA80;
	v2 =	vor.u32 s3, v1  }
0x43: {  	s3 =	simm.s32 $0x10;
	[tilespmem:s0+$0x0] =	vst v2  }
.LBB2_4:
0x44: {  	p2 =	sne.s32 s3, $0x300  }
.Ltmp1:
0x45: {  	_ = 	snop;
	(pc) =	sbr.rel @p2 .LBB2_4-.Ltmp1, $3  }
0x46: {  	_ =	sdelay $0x1  }
0x47: {  	v2 =	vor.u32 s3, v1;
	s3 =	sadd.s32 $0x10, s3;
	s0 =	sadd.s32 $0x10, s0  }
0x48: {  	[tilespmem:s0+$0x0] =	vst v2  }
0x49: {  	[spmem:s16] =	stream.linear.scatter [tilespmem:s6], [sflag:$0x4], $0x1800, $0x38;
	[tilespmem:$0x1FE00] =	vst v63  }
0x4a: {  	_ =	swait.ge [sflag:s10], $0x1800  }
0x4b: {  	[sflag:s10] =	ssyncset.done $0x0  }
0x4c: {  	s0 =	simm.s32 @!p0 $0x0;
	[sflag:s10] =	ssyncadd.s32 $0xFFFFE800  }
0x4d: {  	[spmem:s31] =	stream.linear.scatter @!p0 [tilespmem:s0], [sflag:$0x4], $0x400, $0x38;
	[tilespmem:$0x1FE00] =	vst v63  }
0x4e: {  	s0 =	simm.s32 @!p0 $0x4  }
0x4f: {  	_ =	swait.ge @!p0 [sflag:s0], $0x400  }
0x50: {  	[sflag:s0] =	ssyncset.done @!p0 $0x0  }
0x51: {  	[sflag:s0] =	ssyncadd.s32 @!p0 $0xFFFFFC00  }
0x52: {  	s15 =	simm.s32 $0x0;
	[bflag:$0x0] =	sbarrier.arrive $0xFFFF  }
.LBB2_6:
0x53: {  	_ =	swait.ge [sflag:s11], $0xA00  }
0x54: {  	[sflag:s11] =	ssyncset.done $0x0  }
0x55: {  	[sflag:s11] =	ssyncadd.s32 $0xFFFFF600  }
0x56: {  	_ =	swait.ge [sflag:s11], $0xA00  }
0x57: {  	[sflag:s11] =	ssyncset.done $0x0  }
0x58: {  	[sflag:s11] =	ssyncadd.s32 $0xFFFFF600  }
0x59: {  	_ =	swait.ge [sflag:s11], $0xA00  }
0x5a: {  	[sflag:s11] =	ssyncset.done $0x0  }
0x5b: {  	s0 =	simm.s32 $0x1C480;
	[sflag:s11] =	ssyncadd.s32 $0xFFFFF600  }
0x5c: {  	v2 =	vld [tilespmem:s0+$0x70]  }
0x5d: {  	v3 =	vld [tilespmem:s0+$0xFFFFFF80]  }
0x5e: {  	v4 =	vld [tilespmem:s0+$0xFFFFFF90]  }
0x5f: {  	v5 =	vld [tilespmem:s0+$0xFFFFFFA0]  }
0x60: {  	v6 =	vld [tilespmem:s0+$0xFFFFFFB0]  }
0x61: {  	v7 =	vld [tilespmem:s0+$0xFFFFFFC0]  }
0x62: {  	v8 =	vld [tilespmem:s0+$0xFFFFFFD0]  }
0x63: {  	v9 =	vld [tilespmem:s0+$0xFFFFFFE0]  }
0x64: {  	s3 =	simm.s32 $0x18880;
	v10 =	vld [tilespmem:s0+$0xFFFFFFF0]  }
0x65: {  	s5 =	simm.s32 $0x1A680;
	v11 =	vld [tilespmem:s3+$0x70]  }
0x66: {  	v12 =	vld [tilespmem:s5+$0x70]  }
0x67: {  	v13 =	vld [tilespmem:s0+$0x0]  }
0x68: {  	v14 =	vld [tilespmem:s0+$0x10]  }
0x69: {  	v15 =	vld [tilespmem:s0+$0x20]  }
0x6a: {  	v16 =	vld [tilespmem:s0+$0x30]  }
0x6b: {  	v17 =	vld [tilespmem:s0+$0x40]  }
0x6c: {  	v37 =	vld [tilespmem:s0+$0x50]  }
0x6d: {  	v18 =	vld [tilespmem:s3+$0xFFFFFF90]  }
0x6e: {  	v19 =	vld [tilespmem:s5+$0xFFFFFF90]  }
0x6f: {  	v20 =	vld [tilespmem:s3+$0xFFFFFFA0]  }
0x70: {  	v21 =	vld [tilespmem:s5+$0xFFFFFFA0]  }
0x71: {  	v22 =	vld [tilespmem:s3+$0xFFFFFFB0];
	v2 =	vmul.f32 $1.000000000e+05, v2  }
0x72: {  	v23 =	vld [tilespmem:s5+$0xFFFFFFB0];
	v3 =	vmul.f32 $1.000000000e+05, v3;
	v4 =	vmul.f32 $1.000000000e+05, v4  }
0x73: {  	v24 =	vld [tilespmem:s3+$0xFFFFFFC0];
	v5 =	vmul.f32 $1.000000000e+05, v5;
	v6 =	vmul.f32 $1.000000000e+05, v6  }
0x74: {  	v25 =	vld [tilespmem:s5+$0xFFFFFFC0];
	v7 =	vmul.f32 $1.000000000e+05, v7;
	v8 =	vmul.f32 $1.000000000e+05, v8  }
0x75: {  	v26 =	vld [tilespmem:s3+$0xFFFFFFD0];
	v9 =	vmul.f32 $1.000000000e+05, v9;
	v10 =	vmul.f32 $1.000000000e+05, v10  }
0x76: {  	v27 =	vld [tilespmem:s5+$0xFFFFFFD0];
	v13 =	vmul.f32 $1.000000000e+05, v13;
	v14 =	vmul.f32 $1.000000000e+05, v14  }
0x77: {  	v28 =	vld [tilespmem:s3+$0xFFFFFFE0];
	v15 =	vmul.f32 $1.000000000e+05, v15;
	v16 =	vmul.f32 $1.000000000e+05, v16  }
0x78: {  	v29 =	vld [tilespmem:s5+$0xFFFFFFE0];
	v11 =	vsub.f32 v11, v12;
	v17 =	vmul.f32 $1.000000000e+05, v17;
	v12 =	vmul.f32 $1.000000000e+05, v37  }
0x79: {  	v30 =	vld [tilespmem:s3+$0xFFFFFFF0];
	v2 =	vtrunc.f32 v2;
	v3 =	vtrunc.f32 v3  }
0x7a: {  	v31 =	vld [tilespmem:s5+$0xFFFFFFF0];
	v4 =	vtrunc.f32 v4;
	v5 =	vtrunc.f32 v5  }
0x7b: {  	v32 =	vld [tilespmem:s3+$0x0];
	v18 =	vsub.f32 v18, v19;
	v6 =	vtrunc.f32 v6;
	v7 =	vtrunc.f32 v7  }
0x7c: {  	v33 =	vld [tilespmem:s5+$0x0];
	v20 =	vsub.f32 v20, v21;
	v8 =	vtrunc.f32 v8;
	v9 =	vtrunc.f32 v9  }
0x7d: {  	v34 =	vld [tilespmem:s3+$0x10];
	v22 =	vsub.f32 v22, v23;
	v10 =	vtrunc.f32 v10;
	v13 =	vtrunc.f32 v13  }
0x7e: {  	v39 =	vld [tilespmem:s5+$0x10];
	v24 =	vsub.f32 v24, v25;
	v14 =	vtrunc.f32 v14;
	v15 =	vtrunc.f32 v15  }
0x7f: {  	v26 =	vsub.f32 v26, v27;
	v16 =	vtrunc.f32 v16;
	v17 =	vtrunc.f32 v17  }
0x80: {  	v28 =	vsub.f32 v28, v29;
	v12 =	vtrunc.f32 v12;
	v2 =	vcvt.f32.s32 v2  }
0x81: {  	v38 =	vld [tilespmem:s5+$0xFFFFFF80];
	v56 =	vsub.f32 v30, v31;
	v3 =	vcvt.f32.s32 v3;
	v4 =	vcvt.f32.s32 v4  }
0x82: {  	v35 =	vld [tilespmem:s3+$0x20];
	v58 =	vsub.f32 v32, v33;
	v5 =	vcvt.f32.s32 v5;
	v6 =	vcvt.f32.s32 v6  }
0x83: {  	v42 =	vld [tilespmem:s5+$0x20];
	v59 =	vsub.f32 v34, v39;
	v7 =	vcvt.f32.s32 v7;
	v8 =	vcvt.f32.s32 v8  }
0x84: {  	v43 =	vld [tilespmem:s3+$0x30];
	v41 =	vcvt.f32.s32 v9;
	v10 =	vcvt.f32.s32 v10;
	vm0 =	vgt.s32 v2, $0x0  }
0x85: {  	v44 =	vld [tilespmem:s5+$0x30];
	v13 =	vcvt.f32.s32 v13;
	v14 =	vcvt.f32.s32 v14;
	v2 =	vnsel vm0, $0x0, v2  }
0x86: {  	v45 =	vld [tilespmem:s3+$0x40];
	v15 =	vcvt.f32.s32 v15;
	vm1 =	vgt.s32 v4, $0x0;
	v2 =	vmin.u32 v2, $0x1869F  }
0x87: {  	v47 =	vld [tilespmem:s5+$0x40];
	v16 =	vcvt.f32.s32 v16;
	v17 =	vcvt.f32.s32 v17;
	v4 =	vnsel vm1, $0x0, v4  }
0x88: {  	v49 =	vld [tilespmem:s3+$0x50];
	v46 =	vcvt.f32.s32 v12;
	vm6 =	vgt.s32 v3, $0x0;
	v4 =	vmin.u32 v4, $0x1869F  }
0x89: {  	v50 =	vld [tilespmem:s3+$0xFFFFFF80];
	vm2 =	vgt.s32 v5, $0x0;
	vm7 =	vgt.s32 v6, $0x0;
	vm8 =	vgt.s32 v7, $0x0  }
0x8a: {  	v51 =	vld [tilespmem:s5+$0x50];
	vm9 =	vgt.s32 v8, $0x0;
	vm10 =	vgt.s32 v41, $0x0;
	v5 =	vnsel vm2, $0x0, v5  }
0x8b: {  	vm3 =	vgt.s32 v10, $0x0;
	v7 =	vnsel vm8, $0x0, v7;
	v5 =	vmin.u32 v5, $0x1869F;
	[tilespmem:v2+s6+$0x0] =	vst.idx.add.f32.msk $0xffff, v11  }
0x8c: {  	vm4 =	vgt.s32 v13, $0x0;
	v40 =	vnsel vm7, $0x0, v6;
	v7 =	vmin.u32 v7, $0x1869F;
	v2 =	vld [tilespmem:s0+$0x60]  }
0x8d: {  	vm11 =	vgt.s32 v14, $0x0;
	v6 =	vnsel vm10, $0x0, v41;
	[tilespmem:v4+s6+$0x0] =	vst.idx.add.f32.msk $0xffff, v18;
	v4 =	vmin.u32 v40, $0x1869F  }
0x8e: {  	v52 =	vld [tilespmem:s3+$0x60];
	vm5 =	vgt.s32 v15, $0x0;
	v10 =	vnsel vm3, $0x0, v10;
	v6 =	vmin.u32 v6, $0x1869F  }
0x8f: {  	v53 =	vld [tilespmem:s5+$0x60];
	vm13 =	vgt.s32 v17, $0x0;
	v3 =	vnsel vm6, $0x0, v3;
	v10 =	vmin.u32 v10, $0x1869F  }
0x90: {  	vm14 =	vgt.s32 v46, $0x0;
	v13 =	vnsel vm4, $0x0, v13;
	v3 =	vmin.u32 v3, $0x1869F;
	[tilespmem:v5+s6+$0x0] =	vst.idx.add.f32.msk $0xffff, v20  }
0x91: {  	v48 =	vnsel vm9, $0x0, v8;
	v13 =	vmin.u32 v13, $0x1869F;
	[tilespmem:v7+s6+$0x0] =	vst.idx.add.f32.msk $0xffff, v24;
	v2 =	vmul.f32 $1.000000000e+05, v2  }
0x92: {  	v14 =	vnsel vm11, $0x0, v14;
	v54 =	vnsel vm5, $0x0, v15;
	[tilespmem:v4+s6+$0x0] =	vst.idx.add.f32.msk $0xffff, v22;
	v4 =	vmin.u32 v48, $0x1869F  }
0x93: {  	v14 =	vmin.u32 v14, $0x1869F;
	v11 =	vsub.f32 v50, v38;
	[tilespmem:v6+s6+$0x0] =	vst.idx.add.f32.msk $0xffff, v28;
	v2 =	vtrunc.f32 v2  }
0x94: {  	v57 =	vnsel vm13, $0x0, v17;
	v7 =	vmin.u32 v54, $0x1869F;
	[tilespmem:v10+s6+$0x0] =	vst.idx.add.f32.msk $0xffff, v56;
	v2 =	vcvt.f32.s32 v2  }
0x95: {  	vm12 =	vgt.s32 v16, $0x0;
	v6 =	vmin.u32 v57, $0x1869F;
	[tilespmem:v3+s6+$0x0] =	vst.idx.add.f32.msk $0xffff, v11;
	v3 =	vnsel vm14, $0x0, v46  }
0x96: {  	v55 =	vnsel vm12, $0x0, v16;
	[tilespmem:v13+s6+$0x0] =	vst.idx.add.f32.msk $0xffff, v58;
	v3 =	vmin.u32 v3, $0x1869F;
	vm15 =	vgt.s32 v2, $0x0  }
0x97: {  	v9 =	vsub.f32 v35, v42;
	[tilespmem:v4+s6+$0x0] =	vst.idx.add.f32.msk $0xffff, v26;
	v4 =	vmin.u32 v55, $0x1869F;
	v2 =	vnsel vm15, $0x0, v2  }
0x98: {  	v61 =	vsub.f32 v45, v47;
	[tilespmem:v14+s6+$0x0] =	vst.idx.add.f32.msk $0xffff, v59;
	v2 =	vmin.u32 v2, $0x1869F  }
0x99: {  	v62 =	vsub.f32 v49, v51;
	[tilespmem:v7+s6+$0x0] =	vst.idx.add.f32.msk $0xffff, v9  }
0x9a: {  	v60 =	vsub.f32 v43, v44;
	[tilespmem:v6+s6+$0x0] =	vst.idx.add.f32.msk $0xffff, v61  }
0x9b: {  	v63 =	vsub.f32 v52, v53;
	[tilespmem:v3+s6+$0x0] =	vst.idx.add.f32.msk $0xffff, v62  }
0x9c: {  	[tilespmem:v4+s6+$0x0] =	vst.idx.add.f32.msk $0xffff, v60  }
0x9d: {  	s18 =	simm.s32 $0x1C580;
	s0 =	simm.s32 $0x0;
	[tilespmem:v2+s6+$0x0] =	vst.idx.add.f32.msk $0xffff, v63  }
.LBB2_7:
0x9e: {  	v2 =	vld [tilespmem:s18+$0x70];
	s0 =	sadd.s32 $0x100, s0  }
0x9f: {  	v3 =	vld [tilespmem:s18+$0xFFFFFF80];
	p2 =	slt.u32 s0, $0x900  }
0xa0: {  	v4 =	vld [tilespmem:s18+$0xFFFFFF90]  }
0xa1: {  	v5 =	vld [tilespmem:s18+$0xFFFFFFA0]  }
0xa2: {  	v6 =	vld [tilespmem:s18+$0xFFFFFFB0]  }
0xa3: {  	v7 =	vld [tilespmem:s18+$0xFFFFFFC0];
	v2 =	vmul.f32 $1.000000000e+05, v2  }
0xa4: {  	v3 =	vmul.f32 $1.000000000e+05, v3;
	v8 =	vld [tilespmem:s18+$0xFFFFFFD0]  }
0xa5: {  	v4 =	vmul.f32 $1.000000000e+05, v4;
	v9 =	vld [tilespmem:s18+$0xFFFFFFE0];
	v2 =	vtrunc.f32 v2  }
0xa6: {  	s3 =	sadd.s32 $0x100, s3;
	v5 =	vmul.f32 $1.000000000e+05, v5;
	v10 =	vld [tilespmem:s18+$0xFFFFFFF0];
	v2 =	vcvt.f32.s32 v2  }
0xa7: {  	s5 =	sadd.s32 $0x100, s5;
	v3 =	vtrunc.f32 v3;
	v6 =	vmul.f32 $1.000000000e+05, v6;
	v11 =	vld [tilespmem:s3+$0x70]  }
0xa8: {  	v4 =	vtrunc.f32 v4;
	v7 =	vmul.f32 $1.000000000e+05, v7;
	v12 =	vld [tilespmem:s5+$0x70];
	vm0 =	vgt.s32 v2, $0x0  }
0xa9: {  	v5 =	vtrunc.f32 v5;
	v8 =	vmul.f32 $1.000000000e+05, v8;
	v13 =	vld [tilespmem:s18+$0x0];
	v2 =	vnsel vm0, $0x0, v2  }
0xaa: {  	v6 =	vtrunc.f32 v6;
	v9 =	vmul.f32 $1.000000000e+05, v9;
	v14 =	vld [tilespmem:s18+$0x10];
	v2 =	vmin.u32 v2, $0x1869F  }
0xab: {  	v7 =	vtrunc.f32 v7;
	v10 =	vmul.f32 $1.000000000e+05, v10;
	v15 =	vld [tilespmem:s18+$0x20]  }
0xac: {  	v8 =	vtrunc.f32 v8;
	v9 =	vtrunc.f32 v9;
	v16 =	vld [tilespmem:s18+$0x30]  }
0xad: {  	v3 =	vcvt.f32.s32 v3;
	v10 =	vtrunc.f32 v10;
	v17 =	vld [tilespmem:s18+$0x40];
	v11 =	vsub.f32 v11, v12  }
0xae: {  	v4 =	vcvt.f32.s32 v4;
	v12 =	vmul.f32 $1.000000000e+05, v13;
	v13 =	vld [tilespmem:s18+$0x50]  }
0xaf: {  	vm0 =	vgt.s32 v3, $0x0;
	v5 =	vcvt.f32.s32 v5;
	v14 =	vmul.f32 $1.000000000e+05, v14;
	[tilespmem:v2+s6+$0x0] =	vst.idx.add.f32.msk $0xffff, v11  }
0xb0: {  	vm1 =	vgt.s32 v4, $0x0;
	v11 =	vtrunc.f32 v12;
	v12 =	vmul.f32 $1.000000000e+05, v15;
	v15 =	vld [tilespmem:s18+$0x60]  }
0xb1: {  	vm2 =	vgt.s32 v5, $0x0;
	v2 =	vld [tilespmem:s5+$0xFFFFFF80];
	v14 =	vtrunc.f32 v14;
	v16 =	vmul.f32 $1.000000000e+05, v16  }
0xb2: {  	v3 =	vnsel vm0, $0x0, v3;
	v18 =	vld [tilespmem:s3+$0xFFFFFF90];
	v12 =	vtrunc.f32 v12;
	v17 =	vmul.f32 $1.000000000e+05, v17  }
0xb3: {  	v4 =	vnsel vm1, $0x0, v4;
	v19 =	vld [tilespmem:s5+$0xFFFFFF90];
	v16 =	vtrunc.f32 v16;
	v13 =	vmul.f32 $1.000000000e+05, v13  }
0xb4: {  	v6 =	vcvt.f32.s32 v6;
	v5 =	vnsel vm2, $0x0, v5;
	v20 =	vld [tilespmem:s3+$0xFFFFFFA0];
	v17 =	vtrunc.f32 v17  }
0xb5: {  	v3 =	vmin.u32 v3, $0x1869F;
	v21 =	vld [tilespmem:s5+$0xFFFFFFA0];
	v13 =	vtrunc.f32 v13;
	v15 =	vmul.f32 $1.000000000e+05, v15  }
0xb6: {  	v7 =	vcvt.f32.s32 v7;
	vm0 =	vgt.s32 v6, $0x0;
	v8 =	vcvt.f32.s32 v8;
	v22 =	vld [tilespmem:s3+$0xFFFFFFB0]  }
0xb7: {  	v6 =	vnsel vm0, $0x0, v6;
	v9 =	vcvt.f32.s32 v9;
	v23 =	vld [tilespmem:s5+$0xFFFFFFB0];
	v15 =	vtrunc.f32 v15  }
0xb8: {  	vm0 =	vgt.s32 v7, $0x0;
	v10 =	vcvt.f32.s32 v10;
	v11 =	vcvt.f32.s32 v11;
	v24 =	vld [tilespmem:s3+$0xFFFFFFC0]  }
0xb9: {  	vm1 =	vgt.s32 v8, $0x0;
	v14 =	vcvt.f32.s32 v14;
	v12 =	vcvt.f32.s32 v12;
	v25 =	vld [tilespmem:s5+$0xFFFFFFC0]  }
0xba: {  	vm2 =	vgt.s32 v9, $0x0;
	v16 =	vcvt.f32.s32 v16;
	v17 =	vcvt.f32.s32 v17;
	v26 =	vld [tilespmem:s3+$0xFFFFFFD0]  }
0xbb: {  	vm3 =	vgt.s32 v10, $0x0;
	v13 =	vcvt.f32.s32 v13;
	v15 =	vcvt.f32.s32 v15;
	v27 =	vld [tilespmem:s5+$0xFFFFFFD0]  }
0xbc: {  	vm4 =	vgt.s32 v11, $0x0;
	vm5 =	vgt.s32 v14, $0x0;
	vm6 =	vgt.s32 v12, $0x0;
	v28 =	vld [tilespmem:s3+$0xFFFFFFE0]  }
0xbd: {  	vm7 =	vgt.s32 v16, $0x0;
	vm8 =	vgt.s32 v17, $0x0;
	vm9 =	vgt.s32 v13, $0x0;
	v29 =	vld [tilespmem:s5+$0xFFFFFFE0]  }
0xbe: {  	v7 =	vnsel vm0, $0x0, v7;
	v8 =	vnsel vm1, $0x0, v8;
	vm0 =	vgt.s32 v15, $0x0;
	v30 =	vld [tilespmem:s3+$0xFFFFFFF0]  }
0xbf: {  	v9 =	vnsel vm2, $0x0, v9;
	v10 =	vnsel vm3, $0x0, v10;
	v11 =	vnsel vm4, $0x0, v11;
	v31 =	vld [tilespmem:s5+$0xFFFFFFF0]  }
0xc0: {  	v14 =	vnsel vm5, $0x0, v14;
	v12 =	vnsel vm6, $0x0, v12;
	v16 =	vnsel vm7, $0x0, v16;
	v32 =	vld [tilespmem:s3+$0x0]  }
0xc1: {  	v17 =	vnsel vm8, $0x0, v17;
	v13 =	vnsel vm9, $0x0, v13;
	v15 =	vnsel vm0, $0x0, v15;
	v33 =	vld [tilespmem:s5+$0x0]  }
0xc2: {  	v4 =	vmin.u32 v4, $0x1869F;
	v18 =	vsub.f32 v18, v19;
	v19 =	vsub.f32 v20, v21;
	v20 =	vld [tilespmem:s3+$0x10]  }
0xc3: {  	v5 =	vmin.u32 v5, $0x1869F;
	v21 =	vsub.f32 v22, v23;
	v22 =	vsub.f32 v24, v25;
	v23 =	vld [tilespmem:s5+$0x10]  }
0xc4: {  	v6 =	vmin.u32 v6, $0x1869F;
	v24 =	vsub.f32 v26, v27;
	v25 =	vsub.f32 v28, v29;
	v26 =	vld [tilespmem:s3+$0x20]  }
0xc5: {  	v7 =	vmin.u32 v7, $0x1869F;
	v8 =	vmin.u32 v8, $0x1869F;
	v27 =	vsub.f32 v30, v31;
	v28 =	vld [tilespmem:s5+$0x20]  }
0xc6: {  	v9 =	vmin.u32 v9, $0x1869F;
	v10 =	vmin.u32 v10, $0x1869F;
	v29 =	vsub.f32 v32, v33;
	v30 =	vld [tilespmem:s3+$0x30]  }
0xc7: {  	v11 =	vmin.u32 v11, $0x1869F;
	v14 =	vmin.u32 v14, $0x1869F;
	v12 =	vmin.u32 v12, $0x1869F;
	v31 =	vld [tilespmem:s5+$0x30]  }
0xc8: {  	v16 =	vmin.u32 v16, $0x1869F;
	v17 =	vmin.u32 v17, $0x1869F;
	v20 =	vsub.f32 v20, v23;
	v23 =	vld [tilespmem:s3+$0x40]  }
0xc9: {  	v13 =	vmin.u32 v13, $0x1869F;
	v15 =	vmin.u32 v15, $0x1869F;
	v32 =	vld [tilespmem:s5+$0x40]  }
0xca: {  	v26 =	vsub.f32 v26, v28;
	v28 =	vld [tilespmem:s3+$0x50]  }
0xcb: {  	v33 =	vld [tilespmem:s5+$0x50]  }
0xcc: {  	v30 =	vsub.f32 v30, v31;
	v31 =	vld [tilespmem:s3+$0x60]  }
0xcd: {  	v34 =	vld [tilespmem:s5+$0x60]  }
0xce: {  	v35 =	vld [tilespmem:s3+$0xFFFFFF80];
	v23 =	vsub.f32 v23, v32  }
0xcf: {  	[tilespmem:v4+s6+$0x0] =	vst.idx.add.f32.msk $0xffff, v18  }
0xd0: {  	[tilespmem:v5+s6+$0x0] =	vst.idx.add.f32.msk $0xffff, v19;
	v4 =	vsub.f32 v28, v33  }
0xd1: {  	[tilespmem:v6+s6+$0x0] =	vst.idx.add.f32.msk $0xffff, v21  }
0xd2: {  	[tilespmem:v7+s6+$0x0] =	vst.idx.add.f32.msk $0xffff, v22;
	v5 =	vsub.f32 v31, v34  }
0xd3: {  	v2 =	vsub.f32 v35, v2;
	[tilespmem:v8+s6+$0x0] =	vst.idx.add.f32.msk $0xffff, v24  }
0xd4: {  	[tilespmem:v9+s6+$0x0] =	vst.idx.add.f32.msk $0xffff, v25  }
0xd5: {  	[tilespmem:v3+s6+$0x0] =	vst.idx.add.f32.msk $0xffff, v2  }
0xd6: {  	[tilespmem:v10+s6+$0x0] =	vst.idx.add.f32.msk $0xffff, v27  }
0xd7: {  	[tilespmem:v11+s6+$0x0] =	vst.idx.add.f32.msk $0xffff, v29  }
0xd8: {  	[tilespmem:v14+s6+$0x0] =	vst.idx.add.f32.msk $0xffff, v20  }
.Ltmp2:
0xd9: {  	[tilespmem:v12+s6+$0x0] =	vst.idx.add.f32.msk $0xffff, v26;
	(pc) =	sbr.rel @p2 .LBB2_7-.Ltmp2, $4  }
0xda: {  	[tilespmem:v16+s6+$0x0] =	vst.idx.add.f32.msk $0xffff, v30  }
0xdb: {  	[tilespmem:v17+s6+$0x0] =	vst.idx.add.f32.msk $0xffff, v23  }
0xdc: {  	[tilespmem:v13+s6+$0x0] =	vst.idx.add.f32.msk $0xffff, v4  }
0xdd: {  	s18 =	sadd.s32 $0x100, s18;
	[tilespmem:v15+s6+$0x0] =	vst.idx.add.f32.msk $0xffff, v5  }
0xde: {  	p2 =	seq.s32 s15, $0xF  }
0xdf: {  	s3 =	smul.u32 @!p2 $0x1E00, s15;
	_ =	sdelay $0x1  }
0xe0: {  	s0 =	sadd.s32 @!p2 s3, s17  }
0xe1: {  	s0 =	sshrl.u32 @!p2 s0, $0x3  }
0xe2: {  	s18 =	simm.s32 @!p2 $0x0;
	s19 =	simm.s32 @!p2 $0x18800;
	s5 =	sadd.s32 @!p2 s1, s0  }
0xe3: {  	[tilespmem:s19], [sflag:$0x1] =	stream.linear.gather @!p2 [hbm4b:s5+s18], $0xA00, $0x38;
	[tilespmem:$0x1FE00] =	vst v63  }
0xe4: {  	s5 =	sadd.s32 @!p2 s2, s0;
	s19 =	simm.s32 @!p2 $0x1A600  }
0xe5: {  	[tilespmem:s19], [sflag:$0x1] =	stream.linear.gather @!p2 [hbm4b:s5+s18], $0xA00, $0x38;
	[tilespmem:$0x1FE00] =	vst v63  }
0xe6: {  	s0 =	sadd.s32 @!p2 s4, s0;
	s5 =	simm.s32 @!p2 $0x1C400  }
0xe7: {  	[tilespmem:s5], [sflag:$0x1] =	stream.linear.gather @!p2 [hbm4b:s0+s18], $0xA00, $0x38;
	[tilespmem:$0x1FE00] =	vst v63  }
0xe8: {  	_ =	swait.ge [sflag:s12], $0xA00  }
0xe9: {  	[sflag:s12] =	ssyncset.done $0x0  }
0xea: {  	[sflag:s12] =	ssyncadd.s32 $0xFFFFF600  }
0xeb: {  	_ =	swait.ge [sflag:s12], $0xA00  }
0xec: {  	[sflag:s12] =	ssyncset.done $0x0  }
0xed: {  	[sflag:s12] =	ssyncadd.s32 $0xFFFFF600  }
0xee: {  	_ =	swait.ge [sflag:s12], $0xA00  }
0xef: {  	[sflag:s12] =	ssyncset.done $0x0  }
0xf0: {  	s19 =	simm.s32 $0x1CEF0;
	[sflag:s12] =	ssyncadd.s32 $0xFFFFF600  }
0xf1: {  	v2 =	vld [tilespmem:s19+$0x0]  }
0xf2: {  	v3 =	vld [tilespmem:s19+$0xFFFFFF10]  }
0xf3: {  	v4 =	vld [tilespmem:s19+$0xFFFFFF20]  }
0xf4: {  	v5 =	vld [tilespmem:s19+$0xFFFFFF30]  }
0xf5: {  	v6 =	vld [tilespmem:s19+$0xFFFFFF40]  }
0xf6: {  	v7 =	vld [tilespmem:s19+$0xFFFFFF50]  }
0xf7: {  	v8 =	vld [tilespmem:s19+$0xFFFFFF60]  }
0xf8: {  	v9 =	vld [tilespmem:s19+$0xFFFFFF70]  }
0xf9: {  	s5 =	simm.s32 $0x192F0;
	v10 =	vld [tilespmem:s19+$0xFFFFFF80]  }
0xfa: {  	s0 =	simm.s32 $0x1B0F0;
	v11 =	vld [tilespmem:s5+$0x0]  }
0xfb: {  	v12 =	vld [tilespmem:s0+$0x0]  }
0xfc: {  	v13 =	vld [tilespmem:s19+$0xFFFFFF90]  }
0xfd: {  	v14 =	vld [tilespmem:s19+$0xFFFFFFA0]  }
0xfe: {  	v15 =	vld [tilespmem:s19+$0xFFFFFFB0]  }
0xff: {  	v16 =	vld [tilespmem:s19+$0xFFFFFFC0]  }
0x100: {  	v17 =	vld [tilespmem:s19+$0xFFFFFFD0]  }
0x101: {  	v37 =	vld [tilespmem:s19+$0xFFFFFFE0]  }
0x102: {  	v18 =	vld [tilespmem:s5+$0xFFFFFF20]  }
0x103: {  	v19 =	vld [tilespmem:s0+$0xFFFFFF20]  }
0x104: {  	v20 =	vld [tilespmem:s5+$0xFFFFFF30]  }
0x105: {  	v21 =	vld [tilespmem:s0+$0xFFFFFF30]  }
0x106: {  	v22 =	vld [tilespmem:s5+$0xFFFFFF40];
	v2 =	vmul.f32 $1.000000000e+05, v2  }
0x107: {  	v23 =	vld [tilespmem:s0+$0xFFFFFF40];
	v3 =	vmul.f32 $1.000000000e+05, v3;
	v4 =	vmul.f32 $1.000000000e+05, v4  }
0x108: {  	v24 =	vld [tilespmem:s5+$0xFFFFFF50];
	v5 =	vmul.f32 $1.000000000e+05, v5;
	v6 =	vmul.f32 $1.000000000e+05, v6  }
0x109: {  	v25 =	vld [tilespmem:s0+$0xFFFFFF50];
	v7 =	vmul.f32 $1.000000000e+05, v7;
	v8 =	vmul.f32 $1.000000000e+05, v8  }
0x10a: {  	v26 =	vld [tilespmem:s5+$0xFFFFFF60];
	v9 =	vmul.f32 $1.000000000e+05, v9;
	v10 =	vmul.f32 $1.000000000e+05, v10  }
0x10b: {  	v27 =	vld [tilespmem:s0+$0xFFFFFF60];
	v13 =	vmul.f32 $1.000000000e+05, v13;
	v14 =	vmul.f32 $1.000000000e+05, v14  }
0x10c: {  	v28 =	vld [tilespmem:s5+$0xFFFFFF70];
	v15 =	vmul.f32 $1.000000000e+05, v15;
	v16 =	vmul.f32 $1.000000000e+05, v16  }
0x10d: {  	v29 =	vld [tilespmem:s0+$0xFFFFFF70];
	v11 =	vsub.f32 v11, v12;
	v17 =	vmul.f32 $1.000000000e+05, v17;
	v12 =	vmul.f32 $1.000000000e+05, v37  }
0x10e: {  	v30 =	vld [tilespmem:s5+$0xFFFFFF80];
	v2 =	vtrunc.f32 v2;
	v3 =	vtrunc.f32 v3  }
0x10f: {  	v31 =	vld [tilespmem:s0+$0xFFFFFF80];
	v4 =	vtrunc.f32 v4;
	v5 =	vtrunc.f32 v5  }
0x110: {  	v32 =	vld [tilespmem:s5+$0xFFFFFF90];
	v18 =	vsub.f32 v18, v19;
	v6 =	vtrunc.f32 v6;
	v7 =	vtrunc.f32 v7  }
0x111: {  	v33 =	vld [tilespmem:s0+$0xFFFFFF90];
	v20 =	vsub.f32 v20, v21;
	v8 =	vtrunc.f32 v8;
	v9 =	vtrunc.f32 v9  }
0x112: {  	v34 =	vld [tilespmem:s5+$0xFFFFFFA0];
	v22 =	vsub.f32 v22, v23;
	v10 =	vtrunc.f32 v10;
	v13 =	vtrunc.f32 v13  }
0x113: {  	v39 =	vld [tilespmem:s0+$0xFFFFFFA0];
	v24 =	vsub.f32 v24, v25;
	v14 =	vtrunc.f32 v14;
	v15 =	vtrunc.f32 v15  }
0x114: {  	v26 =	vsub.f32 v26, v27;
	v16 =	vtrunc.f32 v16;
	v17 =	vtrunc.f32 v17  }
0x115: {  	v28 =	vsub.f32 v28, v29;
	v12 =	vtrunc.f32 v12;
	v2 =	vcvt.f32.s32 v2  }
0x116: {  	v38 =	vld [tilespmem:s0+$0xFFFFFF10];
	v56 =	vsub.f32 v30, v31;
	v3 =	vcvt.f32.s32 v3;
	v4 =	vcvt.f32.s32 v4  }
0x117: {  	v35 =	vld [tilespmem:s5+$0xFFFFFFB0];
	v58 =	vsub.f32 v32, v33;
	v5 =	vcvt.f32.s32 v5;
	v6 =	vcvt.f32.s32 v6  }
0x118: {  	v42 =	vld [tilespmem:s0+$0xFFFFFFB0];
	v59 =	vsub.f32 v34, v39;
	v7 =	vcvt.f32.s32 v7;
	v8 =	vcvt.f32.s32 v8  }
0x119: {  	v43 =	vld [tilespmem:s5+$0xFFFFFFC0];
	v41 =	vcvt.f32.s32 v9;
	v10 =	vcvt.f32.s32 v10;
	vm0 =	vgt.s32 v2, $0x0  }
0x11a: {  	v44 =	vld [tilespmem:s0+$0xFFFFFFC0];
	v13 =	vcvt.f32.s32 v13;
	v14 =	vcvt.f32.s32 v14;
	v2 =	vnsel vm0, $0x0, v2  }
0x11b: {  	v45 =	vld [tilespmem:s5+$0xFFFFFFD0];
	v15 =	vcvt.f32.s32 v15;
	vm1 =	vgt.s32 v4, $0x0;
	v2 =	vmin.u32 v2, $0x1869F  }
0x11c: {  	v47 =	vld [tilespmem:s0+$0xFFFFFFD0];
	v16 =	vcvt.f32.s32 v16;
	v17 =	vcvt.f32.s32 v17;
	v4 =	vnsel vm1, $0x0, v4  }
0x11d: {  	v49 =	vld [tilespmem:s5+$0xFFFFFFE0];
	v46 =	vcvt.f32.s32 v12;
	vm6 =	vgt.s32 v3, $0x0;
	v4 =	vmin.u32 v4, $0x1869F  }
0x11e: {  	v50 =	vld [tilespmem:s5+$0xFFFFFF10];
	vm2 =	vgt.s32 v5, $0x0;
	vm7 =	vgt.s32 v6, $0x0;
	vm8 =	vgt.s32 v7, $0x0  }
0x11f: {  	v51 =	vld [tilespmem:s0+$0xFFFFFFE0];
	vm9 =	vgt.s32 v8, $0x0;
	vm10 =	vgt.s32 v41, $0x0;
	v5 =	vnsel vm2, $0x0, v5  }
0x120: {  	vm3 =	vgt.s32 v10, $0x0;
	v7 =	vnsel vm8, $0x0, v7;
	v5 =	vmin.u32 v5, $0x1869F;
	[tilespmem:v2+s6+$0x0] =	vst.idx.add.f32.msk $0xffff, v11  }
0x121: {  	vm4 =	vgt.s32 v13, $0x0;
	v40 =	vnsel vm7, $0x0, v6;
	v7 =	vmin.u32 v7, $0x1869F;
	v2 =	vld [tilespmem:s19+$0xFFFFFFF0]  }
0x122: {  	vm11 =	vgt.s32 v14, $0x0;
	v6 =	vnsel vm10, $0x0, v41;
	[tilespmem:v4+s6+$0x0] =	vst.idx.add.f32.msk $0xffff, v18;
	v4 =	vmin.u32 v40, $0x1869F  }
0x123: {  	v52 =	vld [tilespmem:s5+$0xFFFFFFF0];
	vm5 =	vgt.s32 v15, $0x0;
	v10 =	vnsel vm3, $0x0, v10;
	v6 =	vmin.u32 v6, $0x1869F  }
0x124: {  	v53 =	vld [tilespmem:s0+$0xFFFFFFF0];
	vm13 =	vgt.s32 v17, $0x0;
	v3 =	vnsel vm6, $0x0, v3;
	v10 =	vmin.u32 v10, $0x1869F  }
0x125: {  	vm14 =	vgt.s32 v46, $0x0;
	v13 =	vnsel vm4, $0x0, v13;
	v3 =	vmin.u32 v3, $0x1869F;
	[tilespmem:v5+s6+$0x0] =	vst.idx.add.f32.msk $0xffff, v20  }
0x126: {  	v48 =	vnsel vm9, $0x0, v8;
	v13 =	vmin.u32 v13, $0x1869F;
	[tilespmem:v7+s6+$0x0] =	vst.idx.add.f32.msk $0xffff, v24;
	v2 =	vmul.f32 $1.000000000e+05, v2  }
0x127: {  	v14 =	vnsel vm11, $0x0, v14;
	v54 =	vnsel vm5, $0x0, v15;
	[tilespmem:v4+s6+$0x0] =	vst.idx.add.f32.msk $0xffff, v22;
	v4 =	vmin.u32 v48, $0x1869F  }
0x128: {  	v14 =	vmin.u32 v14, $0x1869F;
	v11 =	vsub.f32 v50, v38;
	[tilespmem:v6+s6+$0x0] =	vst.idx.add.f32.msk $0xffff, v28;
	v2 =	vtrunc.f32 v2  }
0x129: {  	v57 =	vnsel vm13, $0x0, v17;
	v7 =	vmin.u32 v54, $0x1869F;
	[tilespmem:v10+s6+$0x0] =	vst.idx.add.f32.msk $0xffff, v56;
	v2 =	vcvt.f32.s32 v2  }
0x12a: {  	vm12 =	vgt.s32 v16, $0x0;
	v6 =	vmin.u32 v57, $0x1869F;
	[tilespmem:v3+s6+$0x0] =	vst.idx.add.f32.msk $0xffff, v11;
	v3 =	vnsel vm14, $0x0, v46  }
0x12b: {  	v55 =	vnsel vm12, $0x0, v16;
	[tilespmem:v13+s6+$0x0] =	vst.idx.add.f32.msk $0xffff, v58;
	v3 =	vmin.u32 v3, $0x1869F;
	vm15 =	vgt.s32 v2, $0x0  }
0x12c: {  	v9 =	vsub.f32 v35, v42;
	[tilespmem:v4+s6+$0x0] =	vst.idx.add.f32.msk $0xffff, v26;
	v4 =	vmin.u32 v55, $0x1869F;
	v2 =	vnsel vm15, $0x0, v2  }
0x12d: {  	v61 =	vsub.f32 v45, v47;
	[tilespmem:v14+s6+$0x0] =	vst.idx.add.f32.msk $0xffff, v59;
	v2 =	vmin.u32 v2, $0x1869F  }
0x12e: {  	v62 =	vsub.f32 v49, v51;
	[tilespmem:v7+s6+$0x0] =	vst.idx.add.f32.msk $0xffff, v9  }
0x12f: {  	v60 =	vsub.f32 v43, v44;
	[tilespmem:v6+s6+$0x0] =	vst.idx.add.f32.msk $0xffff, v61  }
0x130: {  	v63 =	vsub.f32 v52, v53;
	[tilespmem:v3+s6+$0x0] =	vst.idx.add.f32.msk $0xffff, v62  }
0x131: {  	[tilespmem:v4+s6+$0x0] =	vst.idx.add.f32.msk $0xffff, v60  }
0x132: {  	s18 =	simm.s32 $0x0;
	s19 =	simm.s32 $0x1CFF0;
	[tilespmem:v2+s6+$0x0] =	vst.idx.add.f32.msk $0xffff, v63  }
.LBB2_9:
0x133: {  	v2 =	vld [tilespmem:s19+$0x0];
	s18 =	sadd.s32 $0x100, s18  }
0x134: {  	v3 =	vld [tilespmem:s19+$0xFFFFFF10];
	p3 =	slt.u32 s18, $0x900  }
0x135: {  	v4 =	vld [tilespmem:s19+$0xFFFFFF20]  }
0x136: {  	v5 =	vld [tilespmem:s19+$0xFFFFFF30]  }
0x137: {  	v6 =	vld [tilespmem:s19+$0xFFFFFF40]  }
0x138: {  	v7 =	vld [tilespmem:s19+$0xFFFFFF50];
	v2 =	vmul.f32 $1.000000000e+05, v2  }
0x139: {  	v3 =	vmul.f32 $1.000000000e+05, v3;
	v8 =	vld [tilespmem:s19+$0xFFFFFF60]  }
0x13a: {  	v4 =	vmul.f32 $1.000000000e+05, v4;
	v9 =	vld [tilespmem:s19+$0xFFFFFF70];
	v2 =	vtrunc.f32 v2  }
0x13b: {  	s5 =	sadd.s32 $0x100, s5;
	v5 =	vmul.f32 $1.000000000e+05, v5;
	v10 =	vld [tilespmem:s19+$0xFFFFFF80];
	v2 =	vcvt.f32.s32 v2  }
0x13c: {  	s0 =	sadd.s32 $0x100, s0;
	v3 =	vtrunc.f32 v3;
	v6 =	vmul.f32 $1.000000000e+05, v6;
	v11 =	vld [tilespmem:s5+$0x0]  }
0x13d: {  	v4 =	vtrunc.f32 v4;
	v7 =	vmul.f32 $1.000000000e+05, v7;
	v12 =	vld [tilespmem:s0+$0x0];
	vm0 =	vgt.s32 v2, $0x0  }
0x13e: {  	v5 =	vtrunc.f32 v5;
	v8 =	vmul.f32 $1.000000000e+05, v8;
	v13 =	vld [tilespmem:s19+$0xFFFFFF90];
	v2 =	vnsel vm0, $0x0, v2  }
0x13f: {  	v6 =	vtrunc.f32 v6;
	v9 =	vmul.f32 $1.000000000e+05, v9;
	v14 =	vld [tilespmem:s19+$0xFFFFFFA0];
	v2 =	vmin.u32 v2, $0x1869F  }
0x140: {  	v7 =	vtrunc.f32 v7;
	v10 =	vmul.f32 $1.000000000e+05, v10;
	v15 =	vld [tilespmem:s19+$0xFFFFFFB0]  }
0x141: {  	v8 =	vtrunc.f32 v8;
	v9 =	vtrunc.f32 v9;
	v16 =	vld [tilespmem:s19+$0xFFFFFFC0]  }
0x142: {  	v3 =	vcvt.f32.s32 v3;
	v10 =	vtrunc.f32 v10;
	v17 =	vld [tilespmem:s19+$0xFFFFFFD0];
	v11 =	vsub.f32 v11, v12  }
0x143: {  	v4 =	vcvt.f32.s32 v4;
	v12 =	vmul.f32 $1.000000000e+05, v13;
	v13 =	vld [tilespmem:s19+$0xFFFFFFE0]  }
0x144: {  	vm0 =	vgt.s32 v3, $0x0;
	v5 =	vcvt.f32.s32 v5;
	v14 =	vmul.f32 $1.000000000e+05, v14;
	[tilespmem:v2+s6+$0x0] =	vst.idx.add.f32.msk $0xffff, v11  }
0x145: {  	vm1 =	vgt.s32 v4, $0x0;
	v11 =	vtrunc.f32 v12;
	v12 =	vmul.f32 $1.000000000e+05, v15;
	v15 =	vld [tilespmem:s19+$0xFFFFFFF0]  }
0x146: {  	vm2 =	vgt.s32 v5, $0x0;
	v2 =	vld [tilespmem:s0+$0xFFFFFF10];
	v14 =	vtrunc.f32 v14;
	v16 =	vmul.f32 $1.000000000e+05, v16  }
0x147: {  	v3 =	vnsel vm0, $0x0, v3;
	v18 =	vld [tilespmem:s5+$0xFFFFFF20];
	v12 =	vtrunc.f32 v12;
	v17 =	vmul.f32 $1.000000000e+05, v17  }
0x148: {  	v4 =	vnsel vm1, $0x0, v4;
	v19 =	vld [tilespmem:s0+$0xFFFFFF20];
	v16 =	vtrunc.f32 v16;
	v13 =	vmul.f32 $1.000000000e+05, v13  }
0x149: {  	v6 =	vcvt.f32.s32 v6;
	v5 =	vnsel vm2, $0x0, v5;
	v20 =	vld [tilespmem:s5+$0xFFFFFF30];
	v17 =	vtrunc.f32 v17  }
0x14a: {  	v3 =	vmin.u32 v3, $0x1869F;
	v21 =	vld [tilespmem:s0+$0xFFFFFF30];
	v13 =	vtrunc.f32 v13;
	v15 =	vmul.f32 $1.000000000e+05, v15  }
0x14b: {  	v7 =	vcvt.f32.s32 v7;
	vm0 =	vgt.s32 v6, $0x0;
	v8 =	vcvt.f32.s32 v8;
	v22 =	vld [tilespmem:s5+$0xFFFFFF40]  }
0x14c: {  	v6 =	vnsel vm0, $0x0, v6;
	v9 =	vcvt.f32.s32 v9;
	v23 =	vld [tilespmem:s0+$0xFFFFFF40];
	v15 =	vtrunc.f32 v15  }
0x14d: {  	vm0 =	vgt.s32 v7, $0x0;
	v10 =	vcvt.f32.s32 v10;
	v11 =	vcvt.f32.s32 v11;
	v24 =	vld [tilespmem:s5+$0xFFFFFF50]  }
0x14e: {  	vm1 =	vgt.s32 v8, $0x0;
	v14 =	vcvt.f32.s32 v14;
	v12 =	vcvt.f32.s32 v12;
	v25 =	vld [tilespmem:s0+$0xFFFFFF50]  }
0x14f: {  	vm2 =	vgt.s32 v9, $0x0;
	v16 =	vcvt.f32.s32 v16;
	v17 =	vcvt.f32.s32 v17;
	v26 =	vld [tilespmem:s5+$0xFFFFFF60]  }
0x150: {  	vm3 =	vgt.s32 v10, $0x0;
	v13 =	vcvt.f32.s32 v13;
	v15 =	vcvt.f32.s32 v15;
	v27 =	vld [tilespmem:s0+$0xFFFFFF60]  }
0x151: {  	vm4 =	vgt.s32 v11, $0x0;
	vm5 =	vgt.s32 v14, $0x0;
	vm6 =	vgt.s32 v12, $0x0;
	v28 =	vld [tilespmem:s5+$0xFFFFFF70]  }
0x152: {  	vm7 =	vgt.s32 v16, $0x0;
	vm8 =	vgt.s32 v17, $0x0;
	vm9 =	vgt.s32 v13, $0x0;
	v29 =	vld [tilespmem:s0+$0xFFFFFF70]  }
0x153: {  	v7 =	vnsel vm0, $0x0, v7;
	v8 =	vnsel vm1, $0x0, v8;
	vm0 =	vgt.s32 v15, $0x0;
	v30 =	vld [tilespmem:s5+$0xFFFFFF80]  }
0x154: {  	v9 =	vnsel vm2, $0x0, v9;
	v10 =	vnsel vm3, $0x0, v10;
	v11 =	vnsel vm4, $0x0, v11;
	v31 =	vld [tilespmem:s0+$0xFFFFFF80]  }
0x155: {  	v14 =	vnsel vm5, $0x0, v14;
	v12 =	vnsel vm6, $0x0, v12;
	v16 =	vnsel vm7, $0x0, v16;
	v32 =	vld [tilespmem:s5+$0xFFFFFF90]  }
0x156: {  	v17 =	vnsel vm8, $0x0, v17;
	v13 =	vnsel vm9, $0x0, v13;
	v15 =	vnsel vm0, $0x0, v15;
	v33 =	vld [tilespmem:s0+$0xFFFFFF90]  }
0x157: {  	v4 =	vmin.u32 v4, $0x1869F;
	v18 =	vsub.f32 v18, v19;
	v19 =	vsub.f32 v20, v21;
	v20 =	vld [tilespmem:s5+$0xFFFFFFA0]  }
0x158: {  	v5 =	vmin.u32 v5, $0x1869F;
	v21 =	vsub.f32 v22, v23;
	v22 =	vsub.f32 v24, v25;
	v23 =	vld [tilespmem:s0+$0xFFFFFFA0]  }
0x159: {  	v6 =	vmin.u32 v6, $0x1869F;
	v24 =	vsub.f32 v26, v27;
	v25 =	vsub.f32 v28, v29;
	v26 =	vld [tilespmem:s5+$0xFFFFFFB0]  }
0x15a: {  	v7 =	vmin.u32 v7, $0x1869F;
	v8 =	vmin.u32 v8, $0x1869F;
	v27 =	vsub.f32 v30, v31;
	v28 =	vld [tilespmem:s0+$0xFFFFFFB0]  }
0x15b: {  	v9 =	vmin.u32 v9, $0x1869F;
	v10 =	vmin.u32 v10, $0x1869F;
	v29 =	vsub.f32 v32, v33;
	v30 =	vld [tilespmem:s5+$0xFFFFFFC0]  }
0x15c: {  	v11 =	vmin.u32 v11, $0x1869F;
	v14 =	vmin.u32 v14, $0x1869F;
	v12 =	vmin.u32 v12, $0x1869F;
	v31 =	vld [tilespmem:s0+$0xFFFFFFC0]  }
0x15d: {  	v16 =	vmin.u32 v16, $0x1869F;
	v17 =	vmin.u32 v17, $0x1869F;
	v20 =	vsub.f32 v20, v23;
	v23 =	vld [tilespmem:s5+$0xFFFFFFD0]  }
0x15e: {  	v13 =	vmin.u32 v13, $0x1869F;
	v15 =	vmin.u32 v15, $0x1869F;
	v32 =	vld [tilespmem:s0+$0xFFFFFFD0]  }
0x15f: {  	v26 =	vsub.f32 v26, v28;
	v28 =	vld [tilespmem:s5+$0xFFFFFFE0]  }
0x160: {  	v33 =	vld [tilespmem:s0+$0xFFFFFFE0]  }
0x161: {  	v30 =	vsub.f32 v30, v31;
	v31 =	vld [tilespmem:s5+$0xFFFFFFF0]  }
0x162: {  	v34 =	vld [tilespmem:s0+$0xFFFFFFF0]  }
0x163: {  	v35 =	vld [tilespmem:s5+$0xFFFFFF10];
	v23 =	vsub.f32 v23, v32  }
0x164: {  	[tilespmem:v4+s6+$0x0] =	vst.idx.add.f32.msk $0xffff, v18  }
0x165: {  	[tilespmem:v5+s6+$0x0] =	vst.idx.add.f32.msk $0xffff, v19;
	v4 =	vsub.f32 v28, v33  }
0x166: {  	[tilespmem:v6+s6+$0x0] =	vst.idx.add.f32.msk $0xffff, v21  }
0x167: {  	[tilespmem:v7+s6+$0x0] =	vst.idx.add.f32.msk $0xffff, v22;
	v5 =	vsub.f32 v31, v34  }
0x168: {  	v2 =	vsub.f32 v35, v2;
	[tilespmem:v8+s6+$0x0] =	vst.idx.add.f32.msk $0xffff, v24  }
0x169: {  	[tilespmem:v9+s6+$0x0] =	vst.idx.add.f32.msk $0xffff, v25  }
0x16a: {  	[tilespmem:v3+s6+$0x0] =	vst.idx.add.f32.msk $0xffff, v2  }
0x16b: {  	[tilespmem:v10+s6+$0x0] =	vst.idx.add.f32.msk $0xffff, v27  }
0x16c: {  	[tilespmem:v11+s6+$0x0] =	vst.idx.add.f32.msk $0xffff, v29  }
0x16d: {  	[tilespmem:v14+s6+$0x0] =	vst.idx.add.f32.msk $0xffff, v20  }
.Ltmp3:
0x16e: {  	[tilespmem:v12+s6+$0x0] =	vst.idx.add.f32.msk $0xffff, v26;
	(pc) =	sbr.rel @p3 .LBB2_9-.Ltmp3, $4  }
0x16f: {  	[tilespmem:v16+s6+$0x0] =	vst.idx.add.f32.msk $0xffff, v30  }
0x170: {  	[tilespmem:v17+s6+$0x0] =	vst.idx.add.f32.msk $0xffff, v23  }
0x171: {  	[tilespmem:v13+s6+$0x0] =	vst.idx.add.f32.msk $0xffff, v4  }
0x172: {  	s19 =	sadd.s32 $0x100, s19;
	[tilespmem:v15+s6+$0x0] =	vst.idx.add.f32.msk $0xffff, v5  }
0x173: {  	s0 =	sadd.s32 @!p2 s3, s20  }
0x174: {  	s0 =	sshrl.u32 @!p2 s0, $0x3  }
0x175: {  	s5 =	simm.s32 @!p2 $0x0;
	s18 =	simm.s32 @!p2 $0x19200;
	s3 =	sadd.s32 @!p2 s1, s0  }
0x176: {  	[tilespmem:s18], [sflag:$0x2] =	stream.linear.gather @!p2 [hbm4b:s3+s5], $0xA00, $0x38;
	[tilespmem:$0x1FE00] =	vst v63  }
0x177: {  	s3 =	sadd.s32 @!p2 s2, s0;
	s18 =	simm.s32 @!p2 $0x1B000  }
0x178: {  	[tilespmem:s18], [sflag:$0x2] =	stream.linear.gather @!p2 [hbm4b:s3+s5], $0xA00, $0x38;
	[tilespmem:$0x1FE00] =	vst v63  }
0x179: {  	s0 =	sadd.s32 @!p2 s4, s0;
	s3 =	simm.s32 @!p2 $0x1CE00  }
0x17a: {  	[tilespmem:s3], [sflag:$0x2] =	stream.linear.gather @!p2 [hbm4b:s0+s5], $0xA00, $0x38;
	[tilespmem:$0x1FE00] =	vst v63  }
0x17b: {  	_ =	swait.ge [sflag:s13], $0xA00  }
0x17c: {  	[sflag:s13] =	ssyncset.done $0x0  }
0x17d: {  	[sflag:s13] =	ssyncadd.s32 $0xFFFFF600  }
0x17e: {  	_ =	swait.ge [sflag:s13], $0xA00  }
0x17f: {  	[sflag:s13] =	ssyncset.done $0x0  }
0x180: {  	[sflag:s13] =	ssyncadd.s32 $0xFFFFF600  }
0x181: {  	_ =	swait.ge [sflag:s13], $0xA00  }
0x182: {  	[sflag:s13] =	ssyncset.done $0x0  }
0x183: {  	s19 =	simm.s32 $0x1D8F0;
	[sflag:s13] =	ssyncadd.s32 $0xFFFFF600  }
0x184: {  	v2 =	vld [tilespmem:s19+$0x0]  }
0x185: {  	v3 =	vld [tilespmem:s19+$0xFFFFFF10]  }
0x186: {  	v4 =	vld [tilespmem:s19+$0xFFFFFF20]  }
0x187: {  	v5 =	vld [tilespmem:s19+$0xFFFFFF30]  }
0x188: {  	v6 =	vld [tilespmem:s19+$0xFFFFFF40]  }
0x189: {  	v7 =	vld [tilespmem:s19+$0xFFFFFF50]  }
0x18a: {  	v8 =	vld [tilespmem:s19+$0xFFFFFF60]  }
0x18b: {  	v9 =	vld [tilespmem:s19+$0xFFFFFF70]  }
0x18c: {  	s3 =	simm.s32 $0x19CF0;
	v10 =	vld [tilespmem:s19+$0xFFFFFF80]  }
0x18d: {  	s0 =	simm.s32 $0x1BAF0;
	v11 =	vld [tilespmem:s3+$0x0]  }
0x18e: {  	v12 =	vld [tilespmem:s0+$0x0]  }
0x18f: {  	v13 =	vld [tilespmem:s19+$0xFFFFFF90]  }
0x190: {  	v14 =	vld [tilespmem:s19+$0xFFFFFFA0]  }
0x191: {  	v15 =	vld [tilespmem:s19+$0xFFFFFFB0]  }
0x192: {  	v16 =	vld [tilespmem:s19+$0xFFFFFFC0]  }
0x193: {  	v17 =	vld [tilespmem:s19+$0xFFFFFFD0]  }
0x194: {  	v37 =	vld [tilespmem:s19+$0xFFFFFFE0]  }
0x195: {  	v18 =	vld [tilespmem:s3+$0xFFFFFF20]  }
0x196: {  	v19 =	vld [tilespmem:s0+$0xFFFFFF20]  }
0x197: {  	v20 =	vld [tilespmem:s3+$0xFFFFFF30]  }
0x198: {  	v21 =	vld [tilespmem:s0+$0xFFFFFF30]  }
0x199: {  	v22 =	vld [tilespmem:s3+$0xFFFFFF40];
	v2 =	vmul.f32 $1.000000000e+05, v2  }
0x19a: {  	v23 =	vld [tilespmem:s0+$0xFFFFFF40];
	v3 =	vmul.f32 $1.000000000e+05, v3;
	v4 =	vmul.f32 $1.000000000e+05, v4  }
0x19b: {  	v24 =	vld [tilespmem:s3+$0xFFFFFF50];
	v5 =	vmul.f32 $1.000000000e+05, v5;
	v6 =	vmul.f32 $1.000000000e+05, v6  }
0x19c: {  	v25 =	vld [tilespmem:s0+$0xFFFFFF50];
	v7 =	vmul.f32 $1.000000000e+05, v7;
	v8 =	vmul.f32 $1.000000000e+05, v8  }
0x19d: {  	v26 =	vld [tilespmem:s3+$0xFFFFFF60];
	v9 =	vmul.f32 $1.000000000e+05, v9;
	v10 =	vmul.f32 $1.000000000e+05, v10  }
0x19e: {  	v27 =	vld [tilespmem:s0+$0xFFFFFF60];
	v13 =	vmul.f32 $1.000000000e+05, v13;
	v14 =	vmul.f32 $1.000000000e+05, v14  }
0x19f: {  	v28 =	vld [tilespmem:s3+$0xFFFFFF70];
	v15 =	vmul.f32 $1.000000000e+05, v15;
	v16 =	vmul.f32 $1.000000000e+05, v16  }
0x1a0: {  	v29 =	vld [tilespmem:s0+$0xFFFFFF70];
	v11 =	vsub.f32 v11, v12;
	v17 =	vmul.f32 $1.000000000e+05, v17;
	v12 =	vmul.f32 $1.000000000e+05, v37  }
0x1a1: {  	v30 =	vld [tilespmem:s3+$0xFFFFFF80];
	v2 =	vtrunc.f32 v2;
	v3 =	vtrunc.f32 v3  }
0x1a2: {  	v31 =	vld [tilespmem:s0+$0xFFFFFF80];
	v4 =	vtrunc.f32 v4;
	v5 =	vtrunc.f32 v5  }
0x1a3: {  	v32 =	vld [tilespmem:s3+$0xFFFFFF90];
	v18 =	vsub.f32 v18, v19;
	v6 =	vtrunc.f32 v6;
	v7 =	vtrunc.f32 v7  }
0x1a4: {  	v33 =	vld [tilespmem:s0+$0xFFFFFF90];
	v20 =	vsub.f32 v20, v21;
	v8 =	vtrunc.f32 v8;
	v9 =	vtrunc.f32 v9  }
0x1a5: {  	v34 =	vld [tilespmem:s3+$0xFFFFFFA0];
	v22 =	vsub.f32 v22, v23;
	v10 =	vtrunc.f32 v10;
	v13 =	vtrunc.f32 v13  }
0x1a6: {  	v39 =	vld [tilespmem:s0+$0xFFFFFFA0];
	v24 =	vsub.f32 v24, v25;
	v14 =	vtrunc.f32 v14;
	v15 =	vtrunc.f32 v15  }
0x1a7: {  	v26 =	vsub.f32 v26, v27;
	v16 =	vtrunc.f32 v16;
	v17 =	vtrunc.f32 v17  }
0x1a8: {  	v28 =	vsub.f32 v28, v29;
	v12 =	vtrunc.f32 v12;
	v2 =	vcvt.f32.s32 v2  }
0x1a9: {  	v38 =	vld [tilespmem:s0+$0xFFFFFF10];
	v56 =	vsub.f32 v30, v31;
	v3 =	vcvt.f32.s32 v3;
	v4 =	vcvt.f32.s32 v4  }
0x1aa: {  	v35 =	vld [tilespmem:s3+$0xFFFFFFB0];
	v58 =	vsub.f32 v32, v33;
	v5 =	vcvt.f32.s32 v5;
	v6 =	vcvt.f32.s32 v6  }
0x1ab: {  	v42 =	vld [tilespmem:s0+$0xFFFFFFB0];
	v59 =	vsub.f32 v34, v39;
	v7 =	vcvt.f32.s32 v7;
	v8 =	vcvt.f32.s32 v8  }
0x1ac: {  	v43 =	vld [tilespmem:s3+$0xFFFFFFC0];
	v41 =	vcvt.f32.s32 v9;
	v10 =	vcvt.f32.s32 v10;
	vm0 =	vgt.s32 v2, $0x0  }
0x1ad: {  	v44 =	vld [tilespmem:s0+$0xFFFFFFC0];
	v13 =	vcvt.f32.s32 v13;
	v14 =	vcvt.f32.s32 v14;
	v2 =	vnsel vm0, $0x0, v2  }
0x1ae: {  	v45 =	vld [tilespmem:s3+$0xFFFFFFD0];
	v15 =	vcvt.f32.s32 v15;
	vm1 =	vgt.s32 v4, $0x0;
	v2 =	vmin.u32 v2, $0x1869F  }
0x1af: {  	v47 =	vld [tilespmem:s0+$0xFFFFFFD0];
	v16 =	vcvt.f32.s32 v16;
	v17 =	vcvt.f32.s32 v17;
	v4 =	vnsel vm1, $0x0, v4  }
0x1b0: {  	v49 =	vld [tilespmem:s3+$0xFFFFFFE0];
	v46 =	vcvt.f32.s32 v12;
	vm6 =	vgt.s32 v3, $0x0;
	v4 =	vmin.u32 v4, $0x1869F  }
0x1b1: {  	v50 =	vld [tilespmem:s3+$0xFFFFFF10];
	vm2 =	vgt.s32 v5, $0x0;
	vm7 =	vgt.s32 v6, $0x0;
	vm8 =	vgt.s32 v7, $0x0  }
0x1b2: {  	v51 =	vld [tilespmem:s0+$0xFFFFFFE0];
	vm9 =	vgt.s32 v8, $0x0;
	vm10 =	vgt.s32 v41, $0x0;
	v5 =	vnsel vm2, $0x0, v5  }
0x1b3: {  	vm3 =	vgt.s32 v10, $0x0;
	v7 =	vnsel vm8, $0x0, v7;
	v5 =	vmin.u32 v5, $0x1869F;
	[tilespmem:v2+s6+$0x0] =	vst.idx.add.f32.msk $0xffff, v11  }
0x1b4: {  	vm4 =	vgt.s32 v13, $0x0;
	v40 =	vnsel vm7, $0x0, v6;
	v7 =	vmin.u32 v7, $0x1869F;
	v2 =	vld [tilespmem:s19+$0xFFFFFFF0]  }
0x1b5: {  	vm11 =	vgt.s32 v14, $0x0;
	v6 =	vnsel vm10, $0x0, v41;
	[tilespmem:v4+s6+$0x0] =	vst.idx.add.f32.msk $0xffff, v18;
	v4 =	vmin.u32 v40, $0x1869F  }
0x1b6: {  	v52 =	vld [tilespmem:s3+$0xFFFFFFF0];
	vm5 =	vgt.s32 v15, $0x0;
	v10 =	vnsel vm3, $0x0, v10;
	v6 =	vmin.u32 v6, $0x1869F  }
0x1b7: {  	v53 =	vld [tilespmem:s0+$0xFFFFFFF0];
	vm13 =	vgt.s32 v17, $0x0;
	v3 =	vnsel vm6, $0x0, v3;
	v10 =	vmin.u32 v10, $0x1869F  }
0x1b8: {  	vm14 =	vgt.s32 v46, $0x0;
	v13 =	vnsel vm4, $0x0, v13;
	v3 =	vmin.u32 v3, $0x1869F;
	[tilespmem:v5+s6+$0x0] =	vst.idx.add.f32.msk $0xffff, v20  }
0x1b9: {  	v48 =	vnsel vm9, $0x0, v8;
	v13 =	vmin.u32 v13, $0x1869F;
	[tilespmem:v7+s6+$0x0] =	vst.idx.add.f32.msk $0xffff, v24;
	v2 =	vmul.f32 $1.000000000e+05, v2  }
0x1ba: {  	v14 =	vnsel vm11, $0x0, v14;
	v54 =	vnsel vm5, $0x0, v15;
	[tilespmem:v4+s6+$0x0] =	vst.idx.add.f32.msk $0xffff, v22;
	v4 =	vmin.u32 v48, $0x1869F  }
0x1bb: {  	v14 =	vmin.u32 v14, $0x1869F;
	v11 =	vsub.f32 v50, v38;
	[tilespmem:v6+s6+$0x0] =	vst.idx.add.f32.msk $0xffff, v28;
	v2 =	vtrunc.f32 v2  }
0x1bc: {  	v57 =	vnsel vm13, $0x0, v17;
	v7 =	vmin.u32 v54, $0x1869F;
	[tilespmem:v10+s6+$0x0] =	vst.idx.add.f32.msk $0xffff, v56;
	v2 =	vcvt.f32.s32 v2  }
0x1bd: {  	vm12 =	vgt.s32 v16, $0x0;
	v6 =	vmin.u32 v57, $0x1869F;
	[tilespmem:v3+s6+$0x0] =	vst.idx.add.f32.msk $0xffff, v11;
	v3 =	vnsel vm14, $0x0, v46  }
0x1be: {  	v55 =	vnsel vm12, $0x0, v16;
	[tilespmem:v13+s6+$0x0] =	vst.idx.add.f32.msk $0xffff, v58;
	v3 =	vmin.u32 v3, $0x1869F;
	vm15 =	vgt.s32 v2, $0x0  }
0x1bf: {  	v9 =	vsub.f32 v35, v42;
	[tilespmem:v4+s6+$0x0] =	vst.idx.add.f32.msk $0xffff, v26;
	v4 =	vmin.u32 v55, $0x1869F;
	v2 =	vnsel vm15, $0x0, v2  }
0x1c0: {  	v61 =	vsub.f32 v45, v47;
	[tilespmem:v14+s6+$0x0] =	vst.idx.add.f32.msk $0xffff, v59;
	v2 =	vmin.u32 v2, $0x1869F  }
0x1c1: {  	v62 =	vsub.f32 v49, v51;
	[tilespmem:v7+s6+$0x0] =	vst.idx.add.f32.msk $0xffff, v9  }
0x1c2: {  	v60 =	vsub.f32 v43, v44;
	[tilespmem:v6+s6+$0x0] =	vst.idx.add.f32.msk $0xffff, v61  }
0x1c3: {  	v63 =	vsub.f32 v52, v53;
	[tilespmem:v3+s6+$0x0] =	vst.idx.add.f32.msk $0xffff, v62  }
0x1c4: {  	[tilespmem:v4+s6+$0x0] =	vst.idx.add.f32.msk $0xffff, v60  }
0x1c5: {  	s18 =	simm.s32 $0x1D9F0;
	s5 =	simm.s32 $0x0;
	[tilespmem:v2+s6+$0x0] =	vst.idx.add.f32.msk $0xffff, v63  }
.LBB2_11:
0x1c6: {  	v2 =	vld [tilespmem:s18+$0x0];
	s5 =	sadd.s32 $0x100, s5  }
0x1c7: {  	v3 =	vld [tilespmem:s18+$0xFFFFFF10];
	p3 =	slt.u32 s5, $0x900  }
0x1c8: {  	v4 =	vld [tilespmem:s18+$0xFFFFFF20]  }
0x1c9: {  	v5 =	vld [tilespmem:s18+$0xFFFFFF30]  }
0x1ca: {  	v6 =	vld [tilespmem:s18+$0xFFFFFF40]  }
0x1cb: {  	v7 =	vld [tilespmem:s18+$0xFFFFFF50];
	v2 =	vmul.f32 $1.000000000e+05, v2  }
0x1cc: {  	v3 =	vmul.f32 $1.000000000e+05, v3;
	v8 =	vld [tilespmem:s18+$0xFFFFFF60]  }
0x1cd: {  	v4 =	vmul.f32 $1.000000000e+05, v4;
	v9 =	vld [tilespmem:s18+$0xFFFFFF70];
	v2 =	vtrunc.f32 v2  }
0x1ce: {  	s3 =	sadd.s32 $0x100, s3;
	v5 =	vmul.f32 $1.000000000e+05, v5;
	v10 =	vld [tilespmem:s18+$0xFFFFFF80];
	v2 =	vcvt.f32.s32 v2  }
0x1cf: {  	s0 =	sadd.s32 $0x100, s0;
	v3 =	vtrunc.f32 v3;
	v6 =	vmul.f32 $1.000000000e+05, v6;
	v11 =	vld [tilespmem:s3+$0x0]  }
0x1d0: {  	v4 =	vtrunc.f32 v4;
	v7 =	vmul.f32 $1.000000000e+05, v7;
	v12 =	vld [tilespmem:s0+$0x0];
	vm0 =	vgt.s32 v2, $0x0  }
0x1d1: {  	v5 =	vtrunc.f32 v5;
	v8 =	vmul.f32 $1.000000000e+05, v8;
	v13 =	vld [tilespmem:s18+$0xFFFFFF90];
	v2 =	vnsel vm0, $0x0, v2  }
0x1d2: {  	v6 =	vtrunc.f32 v6;
	v9 =	vmul.f32 $1.000000000e+05, v9;
	v14 =	vld [tilespmem:s18+$0xFFFFFFA0];
	v2 =	vmin.u32 v2, $0x1869F  }
0x1d3: {  	v7 =	vtrunc.f32 v7;
	v10 =	vmul.f32 $1.000000000e+05, v10;
	v15 =	vld [tilespmem:s18+$0xFFFFFFB0]  }
0x1d4: {  	v8 =	vtrunc.f32 v8;
	v9 =	vtrunc.f32 v9;
	v16 =	vld [tilespmem:s18+$0xFFFFFFC0]  }
0x1d5: {  	v3 =	vcvt.f32.s32 v3;
	v10 =	vtrunc.f32 v10;
	v17 =	vld [tilespmem:s18+$0xFFFFFFD0];
	v11 =	vsub.f32 v11, v12  }
0x1d6: {  	v4 =	vcvt.f32.s32 v4;
	v12 =	vmul.f32 $1.000000000e+05, v13;
	v13 =	vld [tilespmem:s18+$0xFFFFFFE0]  }
0x1d7: {  	vm0 =	vgt.s32 v3, $0x0;
	v5 =	vcvt.f32.s32 v5;
	v14 =	vmul.f32 $1.000000000e+05, v14;
	[tilespmem:v2+s6+$0x0] =	vst.idx.add.f32.msk $0xffff, v11  }
0x1d8: {  	vm1 =	vgt.s32 v4, $0x0;
	v11 =	vtrunc.f32 v12;
	v12 =	vmul.f32 $1.000000000e+05, v15;
	v15 =	vld [tilespmem:s18+$0xFFFFFFF0]  }
0x1d9: {  	vm2 =	vgt.s32 v5, $0x0;
	v2 =	vld [tilespmem:s0+$0xFFFFFF10];
	v14 =	vtrunc.f32 v14;
	v16 =	vmul.f32 $1.000000000e+05, v16  }
0x1da: {  	v3 =	vnsel vm0, $0x0, v3;
	v18 =	vld [tilespmem:s3+$0xFFFFFF20];
	v12 =	vtrunc.f32 v12;
	v17 =	vmul.f32 $1.000000000e+05, v17  }
0x1db: {  	v4 =	vnsel vm1, $0x0, v4;
	v19 =	vld [tilespmem:s0+$0xFFFFFF20];
	v16 =	vtrunc.f32 v16;
	v13 =	vmul.f32 $1.000000000e+05, v13  }
0x1dc: {  	v6 =	vcvt.f32.s32 v6;
	v5 =	vnsel vm2, $0x0, v5;
	v20 =	vld [tilespmem:s3+$0xFFFFFF30];
	v17 =	vtrunc.f32 v17  }
0x1dd: {  	v3 =	vmin.u32 v3, $0x1869F;
	v21 =	vld [tilespmem:s0+$0xFFFFFF30];
	v13 =	vtrunc.f32 v13;
	v15 =	vmul.f32 $1.000000000e+05, v15  }
0x1de: {  	v7 =	vcvt.f32.s32 v7;
	vm0 =	vgt.s32 v6, $0x0;
	v8 =	vcvt.f32.s32 v8;
	v22 =	vld [tilespmem:s3+$0xFFFFFF40]  }
0x1df: {  	v6 =	vnsel vm0, $0x0, v6;
	v9 =	vcvt.f32.s32 v9;
	v23 =	vld [tilespmem:s0+$0xFFFFFF40];
	v15 =	vtrunc.f32 v15  }
0x1e0: {  	vm0 =	vgt.s32 v7, $0x0;
	v10 =	vcvt.f32.s32 v10;
	v11 =	vcvt.f32.s32 v11;
	v24 =	vld [tilespmem:s3+$0xFFFFFF50]  }
0x1e1: {  	vm1 =	vgt.s32 v8, $0x0;
	v14 =	vcvt.f32.s32 v14;
	v12 =	vcvt.f32.s32 v12;
	v25 =	vld [tilespmem:s0+$0xFFFFFF50]  }
0x1e2: {  	vm2 =	vgt.s32 v9, $0x0;
	v16 =	vcvt.f32.s32 v16;
	v17 =	vcvt.f32.s32 v17;
	v26 =	vld [tilespmem:s3+$0xFFFFFF60]  }
0x1e3: {  	vm3 =	vgt.s32 v10, $0x0;
	v13 =	vcvt.f32.s32 v13;
	v15 =	vcvt.f32.s32 v15;
	v27 =	vld [tilespmem:s0+$0xFFFFFF60]  }
0x1e4: {  	vm4 =	vgt.s32 v11, $0x0;
	vm5 =	vgt.s32 v14, $0x0;
	vm6 =	vgt.s32 v12, $0x0;
	v28 =	vld [tilespmem:s3+$0xFFFFFF70]  }
0x1e5: {  	vm7 =	vgt.s32 v16, $0x0;
	vm8 =	vgt.s32 v17, $0x0;
	vm9 =	vgt.s32 v13, $0x0;
	v29 =	vld [tilespmem:s0+$0xFFFFFF70]  }
0x1e6: {  	v7 =	vnsel vm0, $0x0, v7;
	v8 =	vnsel vm1, $0x0, v8;
	vm0 =	vgt.s32 v15, $0x0;
	v30 =	vld [tilespmem:s3+$0xFFFFFF80]  }
0x1e7: {  	v9 =	vnsel vm2, $0x0, v9;
	v10 =	vnsel vm3, $0x0, v10;
	v11 =	vnsel vm4, $0x0, v11;
	v31 =	vld [tilespmem:s0+$0xFFFFFF80]  }
0x1e8: {  	v14 =	vnsel vm5, $0x0, v14;
	v12 =	vnsel vm6, $0x0, v12;
	v16 =	vnsel vm7, $0x0, v16;
	v32 =	vld [tilespmem:s3+$0xFFFFFF90]  }
0x1e9: {  	v17 =	vnsel vm8, $0x0, v17;
	v13 =	vnsel vm9, $0x0, v13;
	v15 =	vnsel vm0, $0x0, v15;
	v33 =	vld [tilespmem:s0+$0xFFFFFF90]  }
0x1ea: {  	v4 =	vmin.u32 v4, $0x1869F;
	v18 =	vsub.f32 v18, v19;
	v19 =	vsub.f32 v20, v21;
	v20 =	vld [tilespmem:s3+$0xFFFFFFA0]  }
0x1eb: {  	v5 =	vmin.u32 v5, $0x1869F;
	v21 =	vsub.f32 v22, v23;
	v22 =	vsub.f32 v24, v25;
	v23 =	vld [tilespmem:s0+$0xFFFFFFA0]  }
0x1ec: {  	v6 =	vmin.u32 v6, $0x1869F;
	v24 =	vsub.f32 v26, v27;
	v25 =	vsub.f32 v28, v29;
	v26 =	vld [tilespmem:s3+$0xFFFFFFB0]  }
0x1ed: {  	v7 =	vmin.u32 v7, $0x1869F;
	v8 =	vmin.u32 v8, $0x1869F;
	v27 =	vsub.f32 v30, v31;
	v28 =	vld [tilespmem:s0+$0xFFFFFFB0]  }
0x1ee: {  	v9 =	vmin.u32 v9, $0x1869F;
	v10 =	vmin.u32 v10, $0x1869F;
	v29 =	vsub.f32 v32, v33;
	v30 =	vld [tilespmem:s3+$0xFFFFFFC0]  }
0x1ef: {  	v11 =	vmin.u32 v11, $0x1869F;
	v14 =	vmin.u32 v14, $0x1869F;
	v12 =	vmin.u32 v12, $0x1869F;
	v31 =	vld [tilespmem:s0+$0xFFFFFFC0]  }
0x1f0: {  	v16 =	vmin.u32 v16, $0x1869F;
	v17 =	vmin.u32 v17, $0x1869F;
	v20 =	vsub.f32 v20, v23;
	v23 =	vld [tilespmem:s3+$0xFFFFFFD0]  }
0x1f1: {  	v13 =	vmin.u32 v13, $0x1869F;
	v15 =	vmin.u32 v15, $0x1869F;
	v32 =	vld [tilespmem:s0+$0xFFFFFFD0]  }
0x1f2: {  	v26 =	vsub.f32 v26, v28;
	v28 =	vld [tilespmem:s3+$0xFFFFFFE0]  }
0x1f3: {  	v33 =	vld [tilespmem:s0+$0xFFFFFFE0]  }
0x1f4: {  	v30 =	vsub.f32 v30, v31;
	v31 =	vld [tilespmem:s3+$0xFFFFFFF0]  }
0x1f5: {  	v34 =	vld [tilespmem:s0+$0xFFFFFFF0]  }
0x1f6: {  	v35 =	vld [tilespmem:s3+$0xFFFFFF10];
	v23 =	vsub.f32 v23, v32  }
0x1f7: {  	[tilespmem:v4+s6+$0x0] =	vst.idx.add.f32.msk $0xffff, v18  }
0x1f8: {  	[tilespmem:v5+s6+$0x0] =	vst.idx.add.f32.msk $0xffff, v19;
	v4 =	vsub.f32 v28, v33  }
0x1f9: {  	[tilespmem:v6+s6+$0x0] =	vst.idx.add.f32.msk $0xffff, v21  }
0x1fa: {  	[tilespmem:v7+s6+$0x0] =	vst.idx.add.f32.msk $0xffff, v22;
	v5 =	vsub.f32 v31, v34  }
0x1fb: {  	v2 =	vsub.f32 v35, v2;
	[tilespmem:v8+s6+$0x0] =	vst.idx.add.f32.msk $0xffff, v24  }
0x1fc: {  	[tilespmem:v9+s6+$0x0] =	vst.idx.add.f32.msk $0xffff, v25  }
0x1fd: {  	[tilespmem:v3+s6+$0x0] =	vst.idx.add.f32.msk $0xffff, v2  }
0x1fe: {  	[tilespmem:v10+s6+$0x0] =	vst.idx.add.f32.msk $0xffff, v27  }
0x1ff: {  	[tilespmem:v11+s6+$0x0] =	vst.idx.add.f32.msk $0xffff, v29  }
0x200: {  	[tilespmem:v14+s6+$0x0] =	vst.idx.add.f32.msk $0xffff, v20  }
.Ltmp4:
0x201: {  	[tilespmem:v12+s6+$0x0] =	vst.idx.add.f32.msk $0xffff, v26;
	(pc) =	sbr.rel @p3 .LBB2_11-.Ltmp4, $4  }
0x202: {  	[tilespmem:v16+s6+$0x0] =	vst.idx.add.f32.msk $0xffff, v30  }
0x203: {  	[tilespmem:v17+s6+$0x0] =	vst.idx.add.f32.msk $0xffff, v23  }
0x204: {  	[tilespmem:v13+s6+$0x0] =	vst.idx.add.f32.msk $0xffff, v4  }
0x205: {  	s18 =	sadd.s32 $0x100, s18;
	[tilespmem:v15+s6+$0x0] =	vst.idx.add.f32.msk $0xffff, v5  }
.Ltmp5:
0x206: {  	(pc) =	sbr.rel @p2 .LBB2_14-.Ltmp5, $1  }
0x207: {  	_ =	sdelay $0x3  }
0x208: {  	s0 =	smul.u32 $0x1E00, s15;
	_ =	sdelay $0x1  }
0x209: {  	s0 =	sadd.s32 s0, s21  }
0x20a: {  	s0 =	sshrl.u32 s0, $0x3  }
0x20b: {  	s3 =	sadd.s32 s1, s0  }
0x20c: {  	[tilespmem:s7], [sflag:$0x3] =	stream.linear.gather [hbm4b:s3+s6], $0xA00, $0x38;
	[tilespmem:$0x1FE00] =	vst v63  }
.Ltmp6:
0x20d: {  	_ = 	snop;
	(pc) =	sbr.rel .LBB2_6-.Ltmp6, $4  }
0x20e: {  	s19 =	sadd.s32 s2, s0  }
0x20f: {  	[tilespmem:s8], [sflag:$0x3] =	stream.linear.gather [hbm4b:s19+s6], $0xA00, $0x38;
	[tilespmem:$0x1FE00] =	vst v63  }
0x210: {  	s15 =	sadd.s32 $0x1, s15;
	s0 =	sadd.s32 s4, s0  }
0x211: {  	[tilespmem:s9], [sflag:$0x3] =	stream.linear.gather [hbm4b:s0+s6], $0xA00, $0x38;
	[tilespmem:$0x1FE00] =	vst v63  }
.LBB2_14:
0x212: {  	s18 =	simm.s32 $0x18800  }
0x213: {  	[tilespmem:s18], [sflag:$0x4] =	stream.linear.gather [hbm4b:s22+s6], $0x840, $0x38;
	[tilespmem:$0x1FE00] =	vst v63  }
0x214: {  	_ =	swait.ge [sflag:s10], $0x840  }
0x215: {  	[sflag:s10] =	ssyncset.done $0x0  }
0x216: {  	s0 =	simm.s32 $0x1A600;
	[sflag:s10] =	ssyncadd.s32 $0xFFFFF7C0  }
0x217: {  	[tilespmem:s0], [sflag:$0x4] =	stream.linear.gather [hbm4b:s23+s6], $0x840, $0x38;
	[tilespmem:$0x1FE00] =	vst v63  }
0x218: {  	_ =	swait.ge [sflag:s10], $0x840  }
0x219: {  	[sflag:s10] =	ssyncset.done $0x0  }
0x21a: {  	s5 =	simm.s32 $0x1C400;
	[sflag:s10] =	ssyncadd.s32 $0xFFFFF7C0  }
0x21b: {  	[tilespmem:s5], [sflag:$0x4] =	stream.linear.gather [hbm4b:s24+s6], $0x840, $0x38;
	[tilespmem:$0x1FE00] =	vst v63  }
0x21c: {  	_ =	swait.ge [sflag:s10], $0x840  }
0x21d: {  	[sflag:s10] =	ssyncset.done $0x0  }
0x21e: {  	s15 =	simm.s32 $0x1C420;
	[sflag:s10] =	ssyncadd.s32 $0xFFFFF7C0  }
0x21f: {  	v2 =	vld [tilespmem:s15+$0x10];
	_ =	sdelay $0x4  }
0x220: {  	v3 =	vld [tilespmem:s15+$0xFFFFFFF0];
	v2 =	vmul.f32 $1.000000000e+05, v2  }
0x221: {  	s3 =	simm.s32 $0x18820;
	v4 =	vld [tilespmem:s15+$0x0]  }
0x222: {  	s5 =	simm.s32 $0x1A620;
	v5 =	vld [tilespmem:s3+$0x10];
	v2 =	vtrunc.f32 v2  }
0x223: {  	v6 =	vld [tilespmem:s5+$0x10];
	v2 =	vcvt.f32.s32 v2;
	_ =	sdelay $0x1  }
0x224: {  	vm0 =	vgt.s32 v2, $0x0  }
0x225: {  	v7 =	vld [tilespmem:s15+$0xFFFFFFE0];
	v2 =	vnsel vm0, $0x0, v2  }
0x226: {  	s19 =	simm.s32 $0x1C460;
	v8 =	vld [tilespmem:s3+$0xFFFFFFF0];
	v3 =	vmul.f32 $1.000000000e+05, v3;
	v2 =	vmin.u32 v2, $0x1869F  }
0x227: {  	v4 =	vmul.f32 $1.000000000e+05, v4;
	v5 =	vsub.f32 v5, v6;
	v6 =	vld [tilespmem:s19+$0x10]  }
0x228: {  	v9 =	vld [tilespmem:s5+$0xFFFFFFF0];
	v3 =	vtrunc.f32 v3  }
0x229: {  	v10 =	vld [tilespmem:s3+$0x0];
	v4 =	vtrunc.f32 v4;
	v3 =	vcvt.f32.s32 v3  }
0x22a: {  	v11 =	vld [tilespmem:s5+$0x0];
	v4 =	vcvt.f32.s32 v4  }
0x22b: {  	vm9 =	vgt.s32 v3, $0x0;
	[tilespmem:v2+s6+$0x0] =	vst.idx.add.f32.msk $0xffff, v5  }
0x22c: {  	vm10 =	vgt.s32 v4, $0x0;
	v6 =	vmul.f32 $1.000000000e+05, v6;
	v3 =	vnsel vm9, $0x0, v3;
	v5 =	vld [tilespmem:s19+$0xFFFFFFE0]  }
0x22d: {  	v4 =	vnsel vm10, $0x0, v4;
	v3 =	vmin.u32 v3, $0x1869F;
	v2 =	vmul.f32 $1.000000000e+05, v7;
	v7 =	vld [tilespmem:s19+$0xFFFFFFF0]  }
0x22e: {  	v12 =	vld [tilespmem:s19+$0x0];
	v4 =	vmin.u32 v4, $0x1869F;
	v6 =	vtrunc.f32 v6  }
0x22f: {  	v13 =	vld [tilespmem:s5+$0xFFFFFFE0];
	v6 =	vcvt.f32.s32 v6  }
0x230: {  	v8 =	vsub.f32 v8, v9;
	v9 =	vsub.f32 v10, v11;
	v10 =	vld [tilespmem:s3+$0xFFFFFFE0];
	s3 =	simm.s32 $0x1A660;
	v2 =	vtrunc.f32 v2  }
0x231: {  	v14 =	vld [tilespmem:s3+$0x10];
	vm12 =	vgt.s32 v6, $0x0;
	v2 =	vcvt.f32.s32 v2;
	v5 =	vmul.f32 $1.000000000e+05, v5  }
0x232: {  	v6 =	vnsel vm12, $0x0, v6;
	[tilespmem:v3+s6+$0x0] =	vst.idx.add.f32.msk $0xffff, v8;
	v3 =	vmul.f32 $1.000000000e+05, v7  }
0x233: {  	s0 =	simm.s32 $0x18860;
	[tilespmem:v4+s6+$0x0] =	vst.idx.add.f32.msk $0xffff, v9;
	vm11 =	vgt.s32 v2, $0x0;
	v4 =	vtrunc.f32 v5;
	v5 =	vmul.f32 $1.000000000e+05, v12  }
0x234: {  	v2 =	vnsel vm11, $0x0, v2;
	v12 =	vld [tilespmem:s0+$0x10];
	v7 =	vtrunc.f32 v3;
	v4 =	vcvt.f32.s32 v4  }
0x235: {  	v2 =	vmin.u32 v2, $0x1869F;
	v3 =	vld [tilespmem:s3+$0xFFFFFFE0];
	v8 =	vcvt.f32.s32 v7;
	v7 =	vtrunc.f32 v5  }
0x236: {  	v9 =	vld [tilespmem:s3+$0xFFFFFFF0];
	vm13 =	vgt.s32 v4, $0x0;
	v15 =	vcvt.f32.s32 v7;
	v7 =	vmin.u32 v6, $0x1869F  }
0x237: {  	v5 =	vld [tilespmem:s0+$0xFFFFFFF0];
	vm14 =	vgt.s32 v8, $0x0;
	v6 =	vsub.f32 v10, v13;
	v4 =	vnsel vm13, $0x0, v4  }
0x238: {  	v11 =	vld [tilespmem:s3+$0x0];
	v8 =	vnsel vm14, $0x0, v8;
	v4 =	vmin.u32 v4, $0x1869F;
	vm15 =	vgt.s32 v15, $0x0  }
0x239: {  	s5 =	simm.s32 $0x40;
	s15 =	simm.s32 $0x1C4A0;
	v10 =	vld [tilespmem:s0+$0x0];
	v8 =	vmin.u32 v8, $0x1869F;
	v12 =	vsub.f32 v12, v14;
	v13 =	vnsel vm15, $0x0, v15  }
.LBB2_15:
0x23a: {  	v14 =	vld [tilespmem:s15+$0x10];
	s5 =	sadd.s32 $0x40, s5;
	v13 =	vmin.u32 v13, $0x1869F;
	v15 =	vmov v3  }
0x23b: {  	p2 =	slt.u32 s5, $0x800;
	[tilespmem:v7+s6+$0x0] =	vst.idx.add.f32.msk $0xffff, v12  }
0x23c: {  	v3 =	vld [tilespmem:s15+$0xFFFFFFE0];
	v5 =	vsub.f32 v5, v9  }
0x23d: {  	v7 =	vld [tilespmem:s15+$0xFFFFFFF0]  }
0x23e: {  	v9 =	vld [tilespmem:s15+$0x0];
	v10 =	vsub.f32 v10, v11  }
0x23f: {  	v11 =	vmul.f32 $1.000000000e+05, v14;
	v12 =	vld [tilespmem:s0+$0xFFFFFFE0]  }
0x240: {  	[tilespmem:v2+s6+$0x0] =	vst.idx.add.f32.msk $0xffff, v6;
	v2 =	vmov v4  }
0x241: {  	v3 =	vmul.f32 $1.000000000e+05, v3;
	v4 =	vtrunc.f32 v11;
	[tilespmem:v8+s6+$0x0] =	vst.idx.add.f32.msk $0xffff, v5  }
0x242: {  	s0 =	sadd.s32 $0x40, s0;
	v5 =	vmul.f32 $1.000000000e+05, v7;
	v4 =	vcvt.f32.s32 v4;
	[tilespmem:v13+s6+$0x0] =	vst.idx.add.f32.msk $0xffff, v10  }
0x243: {  	s3 =	sadd.s32 $0x40, s3;
	v3 =	vtrunc.f32 v3;
	v6 =	vmul.f32 $1.000000000e+05, v9;
	v14 =	vld [tilespmem:s0+$0x10]  }
0x244: {  	v8 =	vcvt.f32.s32 v3;
	v5 =	vtrunc.f32 v5;
	v16 =	vld [tilespmem:s3+$0x10];
	vm0 =	vgt.s32 v4, $0x0  }
.Ltmp7:
0x245: {  	v3 =	vld [tilespmem:s3+$0xFFFFFFE0];
	v10 =	vcvt.f32.s32 v5;
	v6 =	vtrunc.f32 v6;
	v4 =	vnsel vm0, $0x0, v4;
	(pc) =	sbr.rel @p2 .LBB2_15-.Ltmp7, $4  }
0x246: {  	vm0 =	vgt.s32 v8, $0x0;
	v5 =	vld [tilespmem:s0+$0xFFFFFFF0];
	v13 =	vcvt.f32.s32 v6;
	v7 =	vmin.u32 v4, $0x1869F  }
0x247: {  	v6 =	vsub.f32 v12, v15;
	v4 =	vnsel vm0, $0x0, v8;
	v9 =	vld [tilespmem:s3+$0xFFFFFFF0];
	vm0 =	vgt.s32 v10, $0x0  }
0x248: {  	v4 =	vmin.u32 v4, $0x1869F;
	v8 =	vnsel vm0, $0x0, v10;
	v10 =	vld [tilespmem:s0+$0x0];
	vm0 =	vgt.s32 v13, $0x0  }
0x249: {  	s15 =	sadd.s32 $0x40, s15;
	v8 =	vmin.u32 v8, $0x1869F;
	v11 =	vld [tilespmem:s3+$0x0];
	v13 =	vnsel vm0, $0x0, v13;
	v12 =	vsub.f32 v14, v16  }
0x24a: {  	_ = 	snop  }
0x24b: {  	v14 =	vld [tilespmem:s0+$0xFFFFFFE0]  }
0x24c: {  	v13 =	vmin.u32 v13, $0x1869F;
	_ =	sdelay $0x1  }
0x24d: {  	[tilespmem:v2+s6+$0x0] =	vst.idx.add.f32.msk $0xffff, v6;
	v5 =	vsub.f32 v5, v9  }
0x24e: {  	[tilespmem:v7+s6+$0x0] =	vst.idx.add.f32.msk $0xffff, v12;
	v63 =	vsub.f32 v10, v11  }
0x24f: {  	[tilespmem:v8+s6+$0x0] =	vst.idx.add.f32.msk $0xffff, v5;
	v2 =	vsub.f32 v14, v3  }
0x250: {  	[tilespmem:v13+s6+$0x0] =	vst.idx.add.f32.msk $0xffff, v63  }
0x251: {  	s0 =	simm.s32 @!p1 $0x0;
	s3 =	simm.s32 @!p1 $0x18800;
	[tilespmem:v4+s6+$0x0] =	vst.idx.add.f32.msk $0xffff, v2  }
0x252: {  	[tilespmem:s3], [sflag:$0x4] =	stream.linear.gather @!p1 [hbm4b:s25+s0], $0x10, $0x38;
	[tilespmem:$0x1FE00] =	vst v63  }
0x253: {  	s3 =	simm.s32 @!p1 $0x4  }
0x254: {  	_ =	swait.ge @!p1 [sflag:s3], $0x10  }
0x255: {  	[sflag:s3] =	ssyncset.done @!p1 $0x0  }
0x256: {  	s5 =	simm.s32 @!p1 $0x1A600;
	[sflag:s3] =	ssyncadd.s32 @!p1 $0xFFFFFFF0  }
0x257: {  	[tilespmem:s5], [sflag:$0x4] =	stream.linear.gather @!p1 [hbm4b:s26+s0], $0x10, $0x38;
	[tilespmem:$0x1FE00] =	vst v63  }
0x258: {  	_ =	swait.ge @!p1 [sflag:s3], $0x10  }
0x259: {  	[sflag:s3] =	ssyncset.done @!p1 $0x0  }
0x25a: {  	s5 =	simm.s32 @!p1 $0x1C400;
	[sflag:s3] =	ssyncadd.s32 @!p1 $0xFFFFFFF0  }
0x25b: {  	[tilespmem:s5], [sflag:$0x4] =	stream.linear.gather @!p1 [hbm4b:s28+s0], $0x10, $0x38;
	[tilespmem:$0x1FE00] =	vst v63  }
0x25c: {  	_ =	swait.ge @!p1 [sflag:s3], $0x10  }
0x25d: {  	[sflag:s3] =	ssyncset.done @!p1 $0x0  }
0x25e: {  	[sflag:s3] =	ssyncadd.s32 @!p1 $0xFFFFFFF0  }
0x25f: {  	v2 =	vld @!p1 [tilespmem:$0x1C400];
	_ =	sdelay $0x4  }
0x260: {  	v2 =	vmul.f32 @!p1 $1.000000000e+05, v2;
	_ =	sdelay $0x1  }
0x261: {  	v2 =	vtrunc.f32 @!p1 v2  }
0x262: {  	v2 =	vcvt.f32.s32 @!p1 v2  }
0x263: {  	v3 =	vld @!p1 [tilespmem:$0x18800]  }
0x264: {  	v4 =	vld @!p1 [tilespmem:$0x1A600];
	vm0 =	vgt.s32 @!p1 v2, $0x0  }
0x265: {  	v2 =	vnsel @!p1 vm0, $0x0, v2  }
0x266: {  	v2 =	vmin.u32 @!p1 v2, $0x1869F;
	_ =	sdelay $0x2  }
0x267: {  	v3 =	vsub.f32 @!p1 v3, v4;
	_ =	sdelay $0x1  }
0x268: {  	s15 =	simm.s32 $0x310;
	s19 =	simm.s32 $0x1FA80;
	s5 =	rddreg [dreg:$0x4];
	[tilespmem:v2+s0+$0x0] =	vst.idx.add.f32.msk @!p1 $0xffff, v3  }
0x269: {  	[spmem:s5] =	stream.indirect.scatter.add.f32 [tilespmem:s6], [sflag:$0x4], $0x80, s19, s15, $0xb8;
	[tilespmem:$0x1FE00] =	vst v63  }
0x26a: {  	_ =	swait.ge [sflag:s10], $0x18800  }
0x26b: {  	[sflag:s10] =	ssyncset.done $0x0  }
0x26c: {  	s5 =	stileid.u32;
	[sflag:s10] =	ssyncadd.s32 $0xFFFE7800  }
0x26d: {  	s0 =	sshll.u32 s5, $0x6;
	[bflag:$0x0] =	sbarrier.arrive $0xFFFF  }
0x26e: {  	s15 =	sshrl.u32 s16, $0x3;
	s0 =	sor.u32 $0x1C04, s0;
	s19 =	rddreg [dreg:$0xf]  }
0x26f: {  	[hbm:s19], [sflag:s0] =	dma.local [spmem:s15], $0x300  }
0x270: {  	_ =	swait.ge [sflag:s10], $0x300  }
0x271: {  	s14 =	sadd.s32 $0x1, s14;
	[sflag:s10] =	ssyncset.done $0x0  }
0x272: {  	p2 =	sne.s32 s14, s29;
	s3 =	rddreg [dreg:$0x10];
	[sflag:s10] =	ssyncadd.s32 $0xFFFFFD00  }
0x273: {  	[hbm:s3], [sflag:s0] =	dma.local @!p0 [spmem:s30], $0x80  }
.Ltmp8:
0x274: {  	_ = 	snop;
	(pc) =	sbr.rel @p2 .LBB2_1-.Ltmp8, $4  }
0x275: {  	s0 =	simm.s32 @!p0 $0x4  }
0x276: {  	_ =	swait.ge @!p0 [sflag:s0], $0x80  }
0x277: {  	[sflag:s0] =	ssyncset.done @!p0 $0x0  }
0x278: {  	[sflag:s0] =	ssyncadd.s32 @!p0 $0xFFFFFF80  }
0x279: {  	_ =	sfence.sel $0x180000  }
0x27a: {  	[bflag:$0x0] =	sbarrier.arrive $0xFFFF  }
0x27b: {  	_ =	strace $0x90000047  }
0x27c: {  	s0 =	stileid.u32;
	[bflag:$0x2] =	sbarrier.arrive $0xFFFF  }
0x27d: {  	p0 =	sne.s32 s0, $0x0;
	s0 =	rddreg [dreg:$0x5]  }
0x27e: {  	s0 =	sadd.s32 @!p0 $0x100000, s0  }
0x27f: {  	[sflag:s0] =	ssyncadd.tile.s32 @!p0 $0x1;
	_ =	shalt  }
.Lfunc_end2:
_tile_overlayer_lowered:
.L_overlay_start_2:
0x280: {  	(tag) =	ssettag $0x2  }
0x281: {  	s0 =	rddreg [dreg:$0x0];
	s2 =	stileid.u32  }
0x282: {  	s1 =	rddreg [dreg:$0x1];
	p0 =	sne.s32 s2, $0x0  }
0x283: {  	s3 =	rddreg [dreg:$0x2];
	[bflag:$0x3] =	sbarrier.arrive $0xFFFF;
	s2 =	simm.s32 @!p0 $0x1C04  }
0x284: {  	[timem:s3], [sflag:s2] =	dma.local @!p0 [hbm:s0], s1  }
0x285: {  	s0 =	simm.s32 @!p0 $0x4  }
0x286: {  	_ =	swait.ge @!p0 [sflag:s0], s1  }
0x287: {  	s1 =	ssub.s32 @!p0 $0x0, s1;
	[sflag:s0] =	ssyncset.done @!p0 $0x0  }
0x288: {  	[sflag:s0] =	ssyncadd.s32 @!p0 s1  }
0x289: {  	[bflag:$0x3] =	sbarrier.arrive $0xFFFF  }
0x28a: {  	_ =	shalt  }

</sc_bundles>
